<compile_context>
chip_gen: v7x
topology: tpu7x:2x2x1
jax: 0.10.2.dev20260603
libtpu: 0.0.44.dev20260713+nightly
codegen_flags: <defaults>
</compile_context>

<pallas_src>
import functools

import jax
import jax.numpy as jnp
from jax import lax
from jax.experimental import pallas as pl
from jax.experimental.pallas import tpu as pltpu
from jax.experimental.pallas import tpu_sc as plsc

F32 = jnp.float32
I32 = jnp.int32

B, N, C = 2, 1024, 768
T = B * N
NH, HD = 12, 64
H = 576
E, K = 23, 3
LN_EPS = 1e-5

PAIRS = T * K
BT = 256
NTILES = (PAIRS + E * (BT - 1)) // BT
S = NTILES * BT
NC, NS = 2, 16
NW = NC * NS
CHUNK = 96
ROWS_W = PAIRS // NW
NCH = ROWS_W // CHUNK
IDX_ROWS = PAIRS // CHUNK


BF16 = jnp.bfloat16


def _bdot(a, b):
    return jnp.dot(a.astype(BF16), b.astype(BF16), preferred_element_type=F32)


def _gelu(x):
    return 0.5 * x * (1.0 + jax.lax.erf(x * (2.0 ** -0.5)))


def _ln(x, g, b):
    m = x.mean(-1, keepdims=True)
    v = ((x - m) ** 2).mean(-1, keepdims=True)
    return (x - m) * jax.lax.rsqrt(v + LN_EPS) * g + b



def _qkv_kernel(x_ref, g_ref, b_ref, w_ref, bias_ref, o_ref):
    xn = _ln(x_ref[...], g_ref[...], b_ref[...])
    o_ref[...] = _bdot(xn, w_ref[...]) + bias_ref[...]


def _run_qkv(xf, g, b, w, bias):
    bt = 256
    return pl.pallas_call(
        _qkv_kernel,
        grid=(T // bt,),
        in_specs=[
            pl.BlockSpec((bt, C), lambda t: (t, 0)),
            pl.BlockSpec((1, C), lambda t: (0, 0)),
            pl.BlockSpec((1, C), lambda t: (0, 0)),
            pl.BlockSpec((C, 3 * C), lambda t: (0, 0)),
            pl.BlockSpec((1, 3 * C), lambda t: (0, 0)),
        ],
        out_specs=pl.BlockSpec((bt, 3 * C), lambda t: (t, 0)),
        out_shape=jax.ShapeDtypeStruct((T, 3 * C), F32),
    )(xf, g, b, w, bias)



def _attn_kernel(q_ref, k_ref, v_ref, o_ref):
    scale = HD ** -0.5
    for i in range(2):
        q = q_ref[0, :, i * HD:(i + 1) * HD]
        k = k_ref[0, :, i * HD:(i + 1) * HD]
        v = v_ref[0, :, i * HD:(i + 1) * HD]
        s = jax.lax.dot_general(q.astype(BF16), k.astype(BF16),
                                (((1,), (1,)), ((), ())),
                                preferred_element_type=F32) * scale
        p = jnp.exp(s)
        r = 1.0 / jnp.sum(p, axis=1, keepdims=True)
        o_ref[0, :, i * HD:(i + 1) * HD] = _bdot(p, v) * r


def _run_attn(qkv):
    return pl.pallas_call(
        _attn_kernel,
        grid=(B, NH // 2),
        in_specs=[
            pl.BlockSpec((1, N, 2 * HD), lambda b, j: (b, 0, j)),
            pl.BlockSpec((1, N, 2 * HD), lambda b, j: (b, 0, NH // 2 + j)),
            pl.BlockSpec((1, N, 2 * HD), lambda b, j: (b, 0, NH + j)),
        ],
        out_specs=pl.BlockSpec((1, N, 2 * HD), lambda b, j: (b, 0, j)),
        out_shape=jax.ShapeDtypeStruct((B, N, C), F32),
    )(qkv, qkv, qkv)



def _proj_route_kernel(a_ref, x_ref, wp_ref, bp_ref, g2_ref, b2_ref,
                       wg_ref, bg_ref, ws1_ref, bs1_ref, ws2_ref, bs2_ref,
                       base_ref, xn_ref, tw_ref, pos_ref, te_ref, used_ref,
                       aux_ref):
    proj = _bdot(a_ref[...], wp_ref[...]) + bp_ref[...]
    x1 = x_ref[...] + proj
    xn = _ln(x1, g2_ref[...], b2_ref[...])
    xn_ref[...] = xn
    g = jax.nn.sigmoid(
        jnp.dot(xn, wg_ref[...], preferred_element_type=F32) + bg_ref[...])
    h = _gelu(_bdot(xn, ws1_ref[...]) + bs1_ref[...])
    base_ref[...] = x1 + _bdot(h, ws2_ref[...]) + bs2_ref[...]

    iota = lax.broadcasted_iota(I32, (T, E), 1)
    gm = g
    onehots, ms = [], []
    for _ in range(K):
        m = jnp.max(gm, axis=1, keepdims=True)
        sel = gm == m
        idx = jnp.min(jnp.where(sel, iota, E), axis=1, keepdims=True)
        oh = (iota == idx).astype(F32)
        onehots.append(oh)
        ms.append(m)
        gm = jnp.where(iota == idx, -1e30, gm)
    wsum = ms[0] + ms[1] + ms[2]
    tw_ref[...] = jnp.concatenate(ms, axis=1) / wsum

    m_all = onehots[0] + onehots[1] + onehots[2]
    counts = jnp.sum(m_all, axis=0, keepdims=True)

    lt = (lax.broadcasted_iota(I32, (T, T), 0)
          > lax.broadcasted_iota(I32, (T, T), 1)).astype(BF16)
    csum = jnp.dot(lt, m_all.astype(BF16), preferred_element_type=F32)

    ctiles = jnp.floor((counts + (BT - 1)) * (1.0 / BT))
    ut = (lax.broadcasted_iota(I32, (E, E), 0)
          < lax.broadcasted_iota(I32, (E, E), 1)).astype(F32)
    poff = jnp.dot(ctiles, ut, preferred_element_type=F32) * BT

    target = poff + csum
    pos_cols = [
        jnp.sum(onehots[k] * target, axis=1, keepdims=True) for k in range(K)
    ]
    pos_ref[...] = jnp.concatenate(pos_cols, axis=1).astype(I32)

    trow = lax.broadcasted_iota(I32, (NTILES, E), 0).astype(F32) * BT
    a = (trow >= poff).astype(F32)
    te = jnp.dot(a, jnp.ones((E, 1), F32), preferred_element_type=F32) - 1.0
    te_ref[...] = te.astype(I32)
    used_ref[...] = jnp.sum(ctiles, keepdims=True).reshape(1, 1).astype(I32)

    p = jnp.mean(g / jnp.sum(g, axis=1, keepdims=True), axis=0, keepdims=True)
    fload = counts * (E / (K * T))
    aux_ref[...] = jnp.sum(p * fload, keepdims=True).reshape(1, 1)


def _run_proj_route(attnf, xf, wp, bp, g2, b2, wg, bg, ws1, bs1, ws2, bs2):
    full = lambda shp: pl.BlockSpec(shp, lambda i: tuple(0 for _ in shp))
    return pl.pallas_call(
        _proj_route_kernel,
        grid=(1,),
        in_specs=[
            full((T, C)), full((T, C)), full((C, C)), full((1, C)),
            full((1, C)), full((1, C)), full((C, E)), full((1, E)),
            full((C, H)), full((1, H)), full((H, C)), full((1, C)),
        ],
        out_specs=[
            full((T, C)), full((T, C)), full((T, K)), full((T, K)),
            full((NTILES, 1)), full((1, 1)), full((1, 1)),
        ],
        out_shape=[
            jax.ShapeDtypeStruct((T, C), F32),
            jax.ShapeDtypeStruct((T, C), F32),
            jax.ShapeDtypeStruct((T, K), F32),
            jax.ShapeDtypeStruct((T, K), I32),
            jax.ShapeDtypeStruct((NTILES, 1), I32),
            jax.ShapeDtypeStruct((1, 1), I32),
            jax.ShapeDtypeStruct((1, 1), F32),
        ],
    )(attnf, xf, wp, bp, g2, b2, wg, bg, ws1, bs1, ws2, bs2)



@functools.lru_cache(maxsize=None)
def _sc_kernels():
    mesh = plsc.VectorSubcoreMesh(
        core_axis_name="c", subcore_axis_name="s",
        num_cores=NC, num_subcores=NS)

    @functools.partial(
        pl.kernel, mesh=mesh,
        out_type=jax.ShapeDtypeStruct((S, C), F32),
        scratch_types=[
            pltpu.VMEM((NCH, CHUNK), I32),
            pltpu.VMEM((NCH, CHUNK), I32),
            pltpu.VMEM((CHUNK, C), F32),
            pltpu.SemaphoreType.DMA,
        ],
    )
    def sc_dispatch(xn_hbm, tok_hbm, pos_hbm, xg_hbm, tok_v, pos_v, rows_v, sem):
        wid = lax.axis_index("s") * NC + lax.axis_index("c")
        base = wid * NCH
        pltpu.sync_copy(tok_hbm.at[pl.ds(base, NCH)], tok_v)
        pltpu.sync_copy(pos_hbm.at[pl.ds(base, NCH)], pos_v)
        for ci in range(NCH):
            pltpu.async_copy(xn_hbm.at[tok_v.at[ci]], rows_v, sem).wait()
            pltpu.async_copy(rows_v, xg_hbm.at[pos_v.at[ci]], sem).wait()

    @functools.partial(
        pl.kernel, mesh=mesh,
        out_type=jax.ShapeDtypeStruct((PAIRS, C), F32),
        scratch_types=[
            pltpu.VMEM((NCH, CHUNK), I32),
            pltpu.VMEM((CHUNK, C), F32),
            pltpu.SemaphoreType.DMA,
        ],
    )
    def sc_collect(yg_hbm, pos_hbm, yc_hbm, pos_v, rows_v, sem):
        wid = lax.axis_index("s") * NC + lax.axis_index("c")
        base = wid * NCH
        pltpu.sync_copy(pos_hbm.at[pl.ds(base, NCH)], pos_v)
        for ci in range(NCH):
            pltpu.async_copy(yg_hbm.at[pos_v.at[ci]], rows_v, sem).wait()
            pltpu.sync_copy(rows_v, yc_hbm.at[pl.ds((base + ci) * CHUNK, CHUNK)])

    return sc_dispatch, sc_collect


def _sc_dispatch(xn, tok2d, pos2d):
    return _sc_kernels()[0](xn, tok2d, pos2d)


def _sc_collect(yg, pos2d):
    return _sc_kernels()[1](yg, pos2d)



def _gmm_kernel(te_ref, used_ref, xg_ref, w1_ref, b1_ref, w2_ref, b2_ref, o_ref):
    t = pl.program_id(0)

    @pl.when(t < used_ref[0])
    def _():
        h = _gelu(_bdot(xg_ref[...], w1_ref[0]) + b1_ref[0])
        o_ref[...] = _bdot(h, w2_ref[0]) + b2_ref[0]


def _e_idx(t, te_r, u_r):
    return te_r[jnp.minimum(t, u_r[0] - 1)]


def _run_gmm(te, used, xg, we1, be1, we2, be2):
    grid_spec = pltpu.PrefetchScalarGridSpec(
        num_scalar_prefetch=2,
        grid=(NTILES,),
        in_specs=[
            pl.BlockSpec((BT, C), lambda t, te_r, u_r: (t, 0)),
            pl.BlockSpec((1, C, H), lambda t, te_r, u_r: (_e_idx(t, te_r, u_r), 0, 0)),
            pl.BlockSpec((1, 1, H), lambda t, te_r, u_r: (_e_idx(t, te_r, u_r), 0, 0)),
            pl.BlockSpec((1, H, C), lambda t, te_r, u_r: (_e_idx(t, te_r, u_r), 0, 0)),
            pl.BlockSpec((1, 1, C), lambda t, te_r, u_r: (_e_idx(t, te_r, u_r), 0, 0)),
        ],
        out_specs=pl.BlockSpec((BT, C), lambda t, te_r, u_r: (t, 0)),
    )
    return pl.pallas_call(
        _gmm_kernel,
        grid_spec=grid_spec,
        out_shape=jax.ShapeDtypeStruct((S, C), F32),
    )(te, used, xg, we1, be1, we2, be2)



def _combine_kernel(base_ref, yc_ref, tw_ref, o_ref):
    acc = base_ref[...]
    tw = tw_ref[...]
    kiota = lax.broadcasted_iota(I32, (tw.shape[0], K), 1)
    for k in range(K):
        wk = jnp.sum(jnp.where(kiota == k, tw, 0.0), axis=1, keepdims=True)
        acc = acc + yc_ref[:, k, :].astype(F32) * wk
    o_ref[...] = acc


def _run_combine(base, yc, tw):
    bt = 256
    return pl.pallas_call(
        _combine_kernel,
        grid=(T // bt,),
        in_specs=[
            pl.BlockSpec((bt, C), lambda t: (t, 0)),
            pl.BlockSpec((bt, K, C), lambda t: (t, 0, 0)),
            pl.BlockSpec((bt, K), lambda t: (t, 0)),
        ],
        out_specs=pl.BlockSpec((bt, C), lambda t: (t, 0)),
        out_shape=jax.ShapeDtypeStruct((T, C), F32),
    )(base, yc, tw)



def kernel(x, params):
    p = params
    xf = x.reshape(T, C)
    r2 = lambda a: a.reshape(1, -1)

    qkv = _run_qkv(xf, r2(p['ln1_g']), r2(p['ln1_b']), p['wqkv'], r2(p['bqkv']))
    attn = _run_attn(qkv.reshape(B, N, 3 * C))
    base, xn, tw, pos, te, used, aux = _run_proj_route(
        attn.reshape(T, C), xf, p['wproj'], r2(p['bproj']),
        r2(p['ln2_g']), r2(p['ln2_b']), p['wg'], r2(p['bg']),
        p['ws1'], r2(p['bs1']), p['ws2'], r2(p['bs2']))

    tok2d = (jnp.arange(PAIRS, dtype=I32) // K).reshape(IDX_ROWS, CHUNK)
    pos2d = pos.reshape(IDX_ROWS, CHUNK)
    xg = _sc_dispatch(xn, tok2d, pos2d)
    yg = _run_gmm(te.reshape(NTILES), used.reshape(1), xg,
                  p['we1'], p['be1'].reshape(E, 1, H),
                  p['we2'], p['be2'].reshape(E, 1, C))
    yc = _sc_collect(yg, pos2d)
    out = _run_combine(base, yc.reshape(T, K, C), tw)
    return out.reshape(B, N, C), aux.reshape(())

# --- scband reference (transcript-rebuilt; emitter-appended) ---
"""Pipeline reference for scband-mo-edet-24137716204032 (READ-ONLY COPY).

The authoritative reference and input builder live on the scoring server;
editing this copy changes nothing except your own understanding.
"""

import jax, jax.numpy as jnp
import numpy as np


def _ln(x, g, b, eps=1e-5):
    m = x.mean(-1, keepdims=True)
    v = ((x - m) ** 2).mean(-1, keepdims=True)
    return (x - m) / jnp.sqrt(v + eps) * g + b


def _mlp(x, w1, b1, w2, b2):
    h = jax.nn.gelu(x @ w1 + b1, approximate=False)
    return h @ w2 + b2


def _attn(x, wqkv, bqkv, wp, bp, nh):
    B, N, C = x.shape
    hd = C // nh
    qkv = (x @ wqkv + bqkv).reshape(B, N, 3, nh, hd).transpose(2, 0, 3, 1, 4)
    q, k, v = qkv[0], qkv[1], qkv[2]
    a = jax.nn.softmax((q @ k.transpose(0, 1, 3, 2)) * (hd ** -0.5), axis=-1)
    o = (a @ v).transpose(0, 2, 1, 3).reshape(B, N, C)
    return o @ wp + bp


def _forward(x, p):
    nh, E, K = 12, 23, 3
    # attention sub-block with residual
    x = x + _attn(_ln(x, p['ln1_g'], p['ln1_b']), p['wqkv'], p['bqkv'], p['wproj'], p['bproj'], nh)
    xn = _ln(x, p['ln2_g'], p['ln2_b'])
    B, N, C = xn.shape
    xf = xn.reshape(-1, C)
    T = xf.shape[0]
    # router: sigmoid gate, top-k selection with (zero-init) load-balance bias buffer
    gw = jax.nn.sigmoid(xf @ p['wg'] + p['bg'])
    route_bias = jnp.zeros((E,), dtype=xf.dtype)  # registered buffer, zeros
    _, topi = jax.lax.top_k(gw + route_bias, K)
    topw = jnp.take_along_axis(gw, topi, axis=-1)
    topw = topw / topw.sum(-1, keepdims=True)
    # dense combine weights: combine[t, e] = normalized gate weight if expert e in top-k of token t else 0
    combine = (jax.nn.one_hot(topi, E, dtype=xf.dtype) * topw[..., None]).sum(axis=1)
    counts = jnp.bincount(topi.reshape(-1), length=E)
    # shared expert applied to every token (equivalent to x = share_experts(x))
    out = _mlp(xf, p['ws1'], p['bs1'], p['ws2'], p['bs2'])
    # unique experts; index_add of weighted expert outputs == dense weighted sum
    for e in range(E):
        out = out + combine[:, e:e + 1] * _mlp(xf, p['we1'][e], p['be1'][e], p['we2'][e], p['be2'][e])
    # aux load-balancing loss
    gwn = gw / gw.sum(-1, keepdims=True)
    P = gwn.mean(axis=0)
    Fload = E * counts.astype(xf.dtype) / (K * T)
    aux = (P * Fload).sum()
    x = x + out.reshape(B, N, C)
    return x, aux


def setup_inputs(seed: int = 0) -> dict:
    key = jax.random.key(seed)
    ks = jax.random.split(key, 10)
    C, H, E = 768, 576, 23  # hidden = int(0.75 * 768)
    f32 = jnp.float32

    def nrm(k, shp):
        return jax.random.normal(k, shp, dtype=f32) * 0.02

    params = {
        'ln1_g': jnp.ones((C,), f32), 'ln1_b': jnp.zeros((C,), f32),
        'wqkv': nrm(ks[0], (C, 3 * C)), 'bqkv': jnp.zeros((3 * C,), f32),
        'wproj': nrm(ks[1], (C, C)), 'bproj': jnp.zeros((C,), f32),
        'ln2_g': jnp.ones((C,), f32), 'ln2_b': jnp.zeros((C,), f32),
        'wg': nrm(ks[2], (C, E)), 'bg': jnp.zeros((E,), f32),
        'ws1': nrm(ks[3], (C, H)), 'bs1': jnp.zeros((H,), f32),
        'ws2': nrm(ks[4], (H, C)), 'bs2': jnp.zeros((C,), f32),
        'we1': nrm(ks[5], (E, C, H)), 'be1': jnp.zeros((E, H), f32),
        'we2': nrm(ks[6], (E, H, C)), 'be2': jnp.zeros((E, C), f32),
    }
    x = jax.random.normal(ks[7], (2, 1024, C), dtype=f32)
    return {'x': x, 'params': params}


def reference(x, params):
    return _forward(x, params)

if __name__ == "__main__":
    import jax
    _d = setup_inputs()
    print(jax.jit(kernel)(*tuple(_d.values())))

</pallas_src>

<mosaic_0001>
#map = affine_map<(d0, d1) -> (0, 0)>
module attributes {stable_mosaic.version = 14 : i64} {
  func.func @sc_collect(%arg0: i32, %arg1: i32, %arg2: memref<11776x768xf32, #tpu.memory_space<hbm>>, %arg3: memref<64x96xi32, #tpu.memory_space<hbm>>, %arg4: memref<6144x768xf32, #tpu.memory_space<hbm>>, %arg5: memref<2x96xi32, #tpu.memory_space<vmem>>, %arg6: memref<96x768xf32, #tpu.memory_space<vmem>>, %arg7: memref<!tpu.dma_semaphore, #tpu.memory_space<semaphore_mem>>) attributes {dimension_semantics = [#tpu.dimension_semantics<core_parallel>, #tpu.dimension_semantics<subcore_parallel>], iteration_bounds = array<i64: 2, 16>, scalar_prefetch = 0 : i64, scratch_operands = 3 : i64, tpu.core_type = #tpu.core_type<sc_vector_subcore>, window_params = [{transform_indices = #map}, {transform_indices = #map}, {transform_indices = #map}]} {
    %mul3A = arith.constant 2 : i32
    %mul3A_0 = arith.muli %arg1, %mul3A : i32
    %add3A = arith.addi %mul3A_0, %arg0 : i32
    %mul3A_1 = arith.constant 2 : i32
    %mul3A_2 = arith.muli %add3A, %mul3A_1 : i32
    "tpu.region"() ({
      %run_scoped3A = tpu.sem_alloc : memref<!tpu.dma_semaphore, #tpu.memory_space<semaphore_mem>>
      %dma_start3A_37 = arith.constant 0 : i32
      %dma_start3A_38 = tpu.memref_slice %arg3[%mul3A_2, %dma_start3A_37] : memref<64x96xi32, #tpu.memory_space<hbm>> -> memref<2x96xi32, #tpu.memory_space<hbm>>
      %dma_start3A_39 = arith.constant 0 : i32
      %dma_start3A_40 = tpu.memref_slice %arg3[%mul3A_2, %dma_start3A_39] : memref<64x96xi32, #tpu.memory_space<hbm>> -> memref<2x96xi32, #tpu.memory_space<hbm>>
      tpu.enqueue_dma source(%dma_start3A_40 : memref<2x96xi32, #tpu.memory_space<hbm>>) target(%arg5 : memref<2x96xi32, #tpu.memory_space<vmem>>) target_semaphore(%run_scoped3A : memref<!tpu.dma_semaphore, #tpu.memory_space<semaphore_mem>>)
      %dma_wait3A_41 = arith.constant 0 : i32
      %dma_wait3A_42 = tpu.memref_slice %arg3[%mul3A_2, %dma_wait3A_41] : memref<64x96xi32, #tpu.memory_space<hbm>> -> memref<2x96xi32, #tpu.memory_space<hbm>>
      %dma_wait3A_43 = arith.constant 0 : i32
      %dma_wait3A_44 = tpu.memref_slice %arg3[%mul3A_2, %dma_wait3A_43] : memref<64x96xi32, #tpu.memory_space<hbm>> -> memref<2x96xi32, #tpu.memory_space<hbm>>
      tpu.wait_dma2 semaphore(%run_scoped3A : memref<!tpu.dma_semaphore, #tpu.memory_space<semaphore_mem>>) src(%dma_wait3A_44 : memref<2x96xi32, #tpu.memory_space<hbm>>) dst(%arg5 : memref<2x96xi32, #tpu.memory_space<vmem>>)
      tpu.yield
    }) : () -> ()
    %dma_start3A = arith.constant 0 : i32
    %dma_start3A_3 = arith.constant 0 : i32
    %dma_start3A_4 = tpu.memref_slice %arg5[%dma_start3A, %dma_start3A_3] : memref<2x96xi32, #tpu.memory_space<vmem>> -> memref<1x96xi32, #tpu.memory_space<vmem>>
    %dma_start3A_5 = tpu.memref_squeeze %dma_start3A_4 : memref<1x96xi32, #tpu.memory_space<vmem>> -> memref<96xi32, #tpu.memory_space<vmem>>
    %dma_start3A_6 = arith.constant 0 : i32
    %dma_start3A_7 = arith.constant 0 : i32
    %dma_start3A_8 = tpu.memref_slice %arg2[%dma_start3A_6, %dma_start3A_7] : memref<11776x768xf32, #tpu.memory_space<hbm>> -> memref<11776x768xf32, #tpu.memory_space<hbm>>
    tpu.enqueue_indirect_dma source(%dma_start3A_8 : memref<11776x768xf32, #tpu.memory_space<hbm>>) target(%arg6 : memref<96x768xf32, #tpu.memory_space<vmem>>) offsets(%dma_start3A_5 : memref<96xi32, #tpu.memory_space<vmem>>) semaphore(%arg7 : memref<!tpu.dma_semaphore, #tpu.memory_space<semaphore_mem>>)
    %dma_wait3A = arith.constant 0 : i32
    %dma_wait3A_9 = arith.constant 0 : i32
    %dma_wait3A_10 = tpu.memref_slice %arg5[%dma_wait3A, %dma_wait3A_9] : memref<2x96xi32, #tpu.memory_space<vmem>> -> memref<1x96xi32, #tpu.memory_space<vmem>>
    %dma_wait3A_11 = tpu.memref_squeeze %dma_wait3A_10 : memref<1x96xi32, #tpu.memory_space<vmem>> -> memref<96xi32, #tpu.memory_space<vmem>>
    %dma_wait3A_12 = arith.constant 0 : i32
    %dma_wait3A_13 = arith.constant 0 : i32
    %dma_wait3A_14 = tpu.memref_slice %arg2[%dma_wait3A_12, %dma_wait3A_13] : memref<11776x768xf32, #tpu.memory_space<hbm>> -> memref<11776x768xf32, #tpu.memory_space<hbm>>
    tpu.wait_indirect_dma semaphore(%arg7 : memref<!tpu.dma_semaphore, #tpu.memory_space<semaphore_mem>>) src(%dma_wait3A_14 : memref<11776x768xf32, #tpu.memory_space<hbm>>) dst(%arg6 : memref<96x768xf32, #tpu.memory_space<vmem>>)
    %add3A_15 = arith.constant 0 : i32
    %add3A_16 = arith.addi %mul3A_2, %add3A_15 : i32
    %mul3A_17 = arith.constant 96 : i32
    %mul3A_18 = arith.muli %add3A_16, %mul3A_17 : i32
    "tpu.region"() ({
      %run_scoped3A = tpu.sem_alloc : memref<!tpu.dma_semaphore, #tpu.memory_space<semaphore_mem>>
      %dma_start3A_37 = arith.constant 0 : i32
      %dma_start3A_38 = tpu.memref_slice %arg4[%mul3A_18, %dma_start3A_37] : memref<6144x768xf32, #tpu.memory_space<hbm>> -> memref<96x768xf32, #tpu.memory_space<hbm>>
      %dma_start3A_39 = arith.constant 0 : i32
      %dma_start3A_40 = tpu.memref_slice %arg4[%mul3A_18, %dma_start3A_39] : memref<6144x768xf32, #tpu.memory_space<hbm>> -> memref<96x768xf32, #tpu.memory_space<hbm>>
      tpu.enqueue_dma source(%arg6 : memref<96x768xf32, #tpu.memory_space<vmem>>) target(%dma_start3A_40 : memref<96x768xf32, #tpu.memory_space<hbm>>) target_semaphore(%run_scoped3A : memref<!tpu.dma_semaphore, #tpu.memory_space<semaphore_mem>>)
      %dma_wait3A_41 = arith.constant 0 : i32
      %dma_wait3A_42 = tpu.memref_slice %arg4[%mul3A_18, %dma_wait3A_41] : memref<6144x768xf32, #tpu.memory_space<hbm>> -> memref<96x768xf32, #tpu.memory_space<hbm>>
      %dma_wait3A_43 = arith.constant 0 : i32
      %dma_wait3A_44 = tpu.memref_slice %arg4[%mul3A_18, %dma_wait3A_43] : memref<6144x768xf32, #tpu.memory_space<hbm>> -> memref<96x768xf32, #tpu.memory_space<hbm>>
      tpu.wait_dma2 semaphore(%run_scoped3A : memref<!tpu.dma_semaphore, #tpu.memory_space<semaphore_mem>>) src(%arg6 : memref<96x768xf32, #tpu.memory_space<vmem>>) dst(%dma_wait3A_44 : memref<96x768xf32, #tpu.memory_space<hbm>>)
      tpu.yield
    }) : () -> ()
    %dma_start3A_19 = arith.constant 1 : i32
    %dma_start3A_20 = arith.constant 0 : i32
    %dma_start3A_21 = tpu.memref_slice %arg5[%dma_start3A_19, %dma_start3A_20] : memref<2x96xi32, #tpu.memory_space<vmem>> -> memref<1x96xi32, #tpu.memory_space<vmem>>
    %dma_start3A_22 = tpu.memref_squeeze %dma_start3A_21 : memref<1x96xi32, #tpu.memory_space<vmem>> -> memref<96xi32, #tpu.memory_space<vmem>>
    %dma_start3A_23 = arith.constant 0 : i32
    %dma_start3A_24 = arith.constant 0 : i32
    %dma_start3A_25 = tpu.memref_slice %arg2[%dma_start3A_23, %dma_start3A_24] : memref<11776x768xf32, #tpu.memory_space<hbm>> -> memref<11776x768xf32, #tpu.memory_space<hbm>>
    tpu.enqueue_indirect_dma source(%dma_start3A_25 : memref<11776x768xf32, #tpu.memory_space<hbm>>) target(%arg6 : memref<96x768xf32, #tpu.memory_space<vmem>>) offsets(%dma_start3A_22 : memref<96xi32, #tpu.memory_space<vmem>>) semaphore(%arg7 : memref<!tpu.dma_semaphore, #tpu.memory_space<semaphore_mem>>)
    %dma_wait3A_26 = arith.constant 1 : i32
    %dma_wait3A_27 = arith.constant 0 : i32
    %dma_wait3A_28 = tpu.memref_slice %arg5[%dma_wait3A_26, %dma_wait3A_27] : memref<2x96xi32, #tpu.memory_space<vmem>> -> memref<1x96xi32, #tpu.memory_space<vmem>>
    %dma_wait3A_29 = tpu.memref_squeeze %dma_wait3A_28 : memref<1x96xi32, #tpu.memory_space<vmem>> -> memref<96xi32, #tpu.memory_space<vmem>>
    %dma_wait3A_30 = arith.constant 0 : i32
    %dma_wait3A_31 = arith.constant 0 : i32
    %dma_wait3A_32 = tpu.memref_slice %arg2[%dma_wait3A_30, %dma_wait3A_31] : memref<11776x768xf32, #tpu.memory_space<hbm>> -> memref<11776x768xf32, #tpu.memory_space<hbm>>
    tpu.wait_indirect_dma semaphore(%arg7 : memref<!tpu.dma_semaphore, #tpu.memory_space<semaphore_mem>>) src(%dma_wait3A_32 : memref<11776x768xf32, #tpu.memory_space<hbm>>) dst(%arg6 : memref<96x768xf32, #tpu.memory_space<vmem>>)
    %add3A_33 = arith.constant 1 : i32
    %add3A_34 = arith.addi %mul3A_2, %add3A_33 : i32
    %mul3A_35 = arith.constant 96 : i32
    %mul3A_36 = arith.muli %add3A_34, %mul3A_35 : i32
    "tpu.region"() ({
      %run_scoped3A = tpu.sem_alloc : memref<!tpu.dma_semaphore, #tpu.memory_space<semaphore_mem>>
      %dma_start3A_37 = arith.constant 0 : i32
      %dma_start3A_38 = tpu.memref_slice %arg4[%mul3A_36, %dma_start3A_37] : memref<6144x768xf32, #tpu.memory_space<hbm>> -> memref<96x768xf32, #tpu.memory_space<hbm>>
      %dma_start3A_39 = arith.constant 0 : i32
      %dma_start3A_40 = tpu.memref_slice %arg4[%mul3A_36, %dma_start3A_39] : memref<6144x768xf32, #tpu.memory_space<hbm>> -> memref<96x768xf32, #tpu.memory_space<hbm>>
      tpu.enqueue_dma source(%arg6 : memref<96x768xf32, #tpu.memory_space<vmem>>) target(%dma_start3A_40 : memref<96x768xf32, #tpu.memory_space<hbm>>) target_semaphore(%run_scoped3A : memref<!tpu.dma_semaphore, #tpu.memory_space<semaphore_mem>>)
      %dma_wait3A_41 = arith.constant 0 : i32
      %dma_wait3A_42 = tpu.memref_slice %arg4[%mul3A_36, %dma_wait3A_41] : memref<6144x768xf32, #tpu.memory_space<hbm>> -> memref<96x768xf32, #tpu.memory_space<hbm>>
      %dma_wait3A_43 = arith.constant 0 : i32
      %dma_wait3A_44 = tpu.memref_slice %arg4[%mul3A_36, %dma_wait3A_43] : memref<6144x768xf32, #tpu.memory_space<hbm>> -> memref<96x768xf32, #tpu.memory_space<hbm>>
      tpu.wait_dma2 semaphore(%run_scoped3A : memref<!tpu.dma_semaphore, #tpu.memory_space<semaphore_mem>>) src(%arg6 : memref<96x768xf32, #tpu.memory_space<vmem>>) dst(%dma_wait3A_44 : memref<96x768xf32, #tpu.memory_space<hbm>>)
      tpu.yield
    }) : () -> ()
    return
  }
}

#map = affine_map<(d0, d1) -> (0, 0)>
module attributes {stable_mosaic.version = 14 : i64} {
  func.func @sc_dispatch(%arg0: i32, %arg1: i32, %arg2: memref<2048x768xf32, #tpu.memory_space<hbm>>, %arg3: memref<64x96xi32, #tpu.memory_space<hbm>>, %arg4: memref<64x96xi32, #tpu.memory_space<hbm>>, %arg5: memref<11776x768xf32, #tpu.memory_space<hbm>>, %arg6: memref<2x96xi32, #tpu.memory_space<vmem>>, %arg7: memref<2x96xi32, #tpu.memory_space<vmem>>, %arg8: memref<96x768xf32, #tpu.memory_space<vmem>>, %arg9: memref<!tpu.dma_semaphore, #tpu.memory_space<semaphore_mem>>) attributes {dimension_semantics = [#tpu.dimension_semantics<core_parallel>, #tpu.dimension_semantics<subcore_parallel>], iteration_bounds = array<i64: 2, 16>, scalar_prefetch = 0 : i64, scratch_operands = 4 : i64, tpu.core_type = #tpu.core_type<sc_vector_subcore>, window_params = [{transform_indices = #map}, {transform_indices = #map}, {transform_indices = #map}, {transform_indices = #map}]} {
    %mul3A = arith.constant 2 : i32
    %mul3A_0 = arith.muli %arg1, %mul3A : i32
    %add3A = arith.addi %mul3A_0, %arg0 : i32
    %mul3A_1 = arith.constant 2 : i32
    %mul3A_2 = arith.muli %add3A, %mul3A_1 : i32
    "tpu.region"() ({
      %run_scoped3A = tpu.sem_alloc : memref<!tpu.dma_semaphore, #tpu.memory_space<semaphore_mem>>
      %dma_start3A_57 = arith.constant 0 : i32
      %dma_start3A_58 = tpu.memref_slice %arg3[%mul3A_2, %dma_start3A_57] : memref<64x96xi32, #tpu.memory_space<hbm>> -> memref<2x96xi32, #tpu.memory_space<hbm>>
      %dma_start3A_59 = arith.constant 0 : i32
      %dma_start3A_60 = tpu.memref_slice %arg3[%mul3A_2, %dma_start3A_59] : memref<64x96xi32, #tpu.memory_space<hbm>> -> memref<2x96xi32, #tpu.memory_space<hbm>>
      tpu.enqueue_dma source(%dma_start3A_60 : memref<2x96xi32, #tpu.memory_space<hbm>>) target(%arg6 : memref<2x96xi32, #tpu.memory_space<vmem>>) target_semaphore(%run_scoped3A : memref<!tpu.dma_semaphore, #tpu.memory_space<semaphore_mem>>)
      %dma_wait3A_61 = arith.constant 0 : i32
      %dma_wait3A_62 = tpu.memref_slice %arg3[%mul3A_2, %dma_wait3A_61] : memref<64x96xi32, #tpu.memory_space<hbm>> -> memref<2x96xi32, #tpu.memory_space<hbm>>
      %dma_wait3A_63 = arith.constant 0 : i32
      %dma_wait3A_64 = tpu.memref_slice %arg3[%mul3A_2, %dma_wait3A_63] : memref<64x96xi32, #tpu.memory_space<hbm>> -> memref<2x96xi32, #tpu.memory_space<hbm>>
      tpu.wait_dma2 semaphore(%run_scoped3A : memref<!tpu.dma_semaphore, #tpu.memory_space<semaphore_mem>>) src(%dma_wait3A_64 : memref<2x96xi32, #tpu.memory_space<hbm>>) dst(%arg6 : memref<2x96xi32, #tpu.memory_space<vmem>>)
      tpu.yield
    }) : () -> ()
    "tpu.region"() ({
      %run_scoped3A = tpu.sem_alloc : memref<!tpu.dma_semaphore, #tpu.memory_space<semaphore_mem>>
      %dma_start3A_57 = arith.constant 0 : i32
      %dma_start3A_58 = tpu.memref_slice %arg4[%mul3A_2, %dma_start3A_57] : memref<64x96xi32, #tpu.memory_space<hbm>> -> memref<2x96xi32, #tpu.memory_space<hbm>>
      %dma_start3A_59 = arith.constant 0 : i32
      %dma_start3A_60 = tpu.memref_slice %arg4[%mul3A_2, %dma_start3A_59] : memref<64x96xi32, #tpu.memory_space<hbm>> -> memref<2x96xi32, #tpu.memory_space<hbm>>
      tpu.enqueue_dma source(%dma_start3A_60 : memref<2x96xi32, #tpu.memory_space<hbm>>) target(%arg7 : memref<2x96xi32, #tpu.memory_space<vmem>>) target_semaphore(%run_scoped3A : memref<!tpu.dma_semaphore, #tpu.memory_space<semaphore_mem>>)
      %dma_wait3A_61 = arith.constant 0 : i32
      %dma_wait3A_62 = tpu.memref_slice %arg4[%mul3A_2, %dma_wait3A_61] : memref<64x96xi32, #tpu.memory_space<hbm>> -> memref<2x96xi32, #tpu.memory_space<hbm>>
      %dma_wait3A_63 = arith.constant 0 : i32
      %dma_wait3A_64 = tpu.memref_slice %arg4[%mul3A_2, %dma_wait3A_63] : memref<64x96xi32, #tpu.memory_space<hbm>> -> memref<2x96xi32, #tpu.memory_space<hbm>>
      tpu.wait_dma2 semaphore(%run_scoped3A : memref<!tpu.dma_semaphore, #tpu.memory_space<semaphore_mem>>) src(%dma_wait3A_64 : memref<2x96xi32, #tpu.memory_space<hbm>>) dst(%arg7 : memref<2x96xi32, #tpu.memory_space<vmem>>)
      tpu.yield
    }) : () -> ()
    %dma_start3A = arith.constant 0 : i32
    %dma_start3A_3 = arith.constant 0 : i32
    %dma_start3A_4 = tpu.memref_slice %arg6[%dma_start3A, %dma_start3A_3] : memref<2x96xi32, #tpu.memory_space<vmem>> -> memref<1x96xi32, #tpu.memory_space<vmem>>
    %dma_start3A_5 = tpu.memref_squeeze %dma_start3A_4 : memref<1x96xi32, #tpu.memory_space<vmem>> -> memref<96xi32, #tpu.memory_space<vmem>>
    %dma_start3A_6 = arith.constant 0 : i32
    %dma_start3A_7 = arith.constant 0 : i32
    %dma_start3A_8 = tpu.memref_slice %arg2[%dma_start3A_6, %dma_start3A_7] : memref<2048x768xf32, #tpu.memory_space<hbm>> -> memref<2048x768xf32, #tpu.memory_space<hbm>>
    tpu.enqueue_indirect_dma source(%dma_start3A_8 : memref<2048x768xf32, #tpu.memory_space<hbm>>) target(%arg8 : memref<96x768xf32, #tpu.memory_space<vmem>>) offsets(%dma_start3A_5 : memref<96xi32, #tpu.memory_space<vmem>>) semaphore(%arg9 : memref<!tpu.dma_semaphore, #tpu.memory_space<semaphore_mem>>)
    %dma_wait3A = arith.constant 0 : i32
    %dma_wait3A_9 = arith.constant 0 : i32
    %dma_wait3A_10 = tpu.memref_slice %arg6[%dma_wait3A, %dma_wait3A_9] : memref<2x96xi32, #tpu.memory_space<vmem>> -> memref<1x96xi32, #tpu.memory_space<vmem>>
    %dma_wait3A_11 = tpu.memref_squeeze %dma_wait3A_10 : memref<1x96xi32, #tpu.memory_space<vmem>> -> memref<96xi32, #tpu.memory_space<vmem>>
    %dma_wait3A_12 = arith.constant 0 : i32
    %dma_wait3A_13 = arith.constant 0 : i32
    %dma_wait3A_14 = tpu.memref_slice %arg2[%dma_wait3A_12, %dma_wait3A_13] : memref<2048x768xf32, #tpu.memory_space<hbm>> -> memref<2048x768xf32, #tpu.memory_space<hbm>>
    tpu.wait_indirect_dma semaphore(%arg9 : memref<!tpu.dma_semaphore, #tpu.memory_space<semaphore_mem>>) src(%dma_wait3A_14 : memref<2048x768xf32, #tpu.memory_space<hbm>>) dst(%arg8 : memref<96x768xf32, #tpu.memory_space<vmem>>)
    %dma_start3A_15 = arith.constant 0 : i32
    %dma_start3A_16 = arith.constant 0 : i32
    %dma_start3A_17 = tpu.memref_slice %arg7[%dma_start3A_15, %dma_start3A_16] : memref<2x96xi32, #tpu.memory_space<vmem>> -> memref<1x96xi32, #tpu.memory_space<vmem>>
    %dma_start3A_18 = tpu.memref_squeeze %dma_start3A_17 : memref<1x96xi32, #tpu.memory_space<vmem>> -> memref<96xi32, #tpu.memory_space<vmem>>
    %dma_start3A_19 = arith.constant 0 : i32
    %dma_start3A_20 = arith.constant 0 : i32
    %dma_start3A_21 = tpu.memref_slice %arg5[%dma_start3A_19, %dma_start3A_20] : memref<11776x768xf32, #tpu.memory_space<hbm>> -> memref<11776x768xf32, #tpu.memory_space<hbm>>
    tpu.enqueue_indirect_dma source(%arg8 : memref<96x768xf32, #tpu.memory_space<vmem>>) target(%dma_start3A_21 : memref<11776x768xf32, #tpu.memory_space<hbm>>) offsets(%dma_start3A_18 : memref<96xi32, #tpu.memory_space<vmem>>) semaphore(%arg9 : memref<!tpu.dma_semaphore, #tpu.memory_space<semaphore_mem>>)
    %dma_wait3A_22 = arith.constant 0 : i32
    %dma_wait3A_23 = arith.constant 0 : i32
    %dma_wait3A_24 = tpu.memref_slice %arg7[%dma_wait3A_22, %dma_wait3A_23] : memref<2x96xi32, #tpu.memory_space<vmem>> -> memref<1x96xi32, #tpu.memory_space<vmem>>
    %dma_wait3A_25 = tpu.memref_squeeze %dma_wait3A_24 : memref<1x96xi32, #tpu.memory_space<vmem>> -> memref<96xi32, #tpu.memory_space<vmem>>
    %dma_wait3A_26 = arith.constant 0 : i32
    %dma_wait3A_27 = arith.constant 0 : i32
    %dma_wait3A_28 = tpu.memref_slice %arg5[%dma_wait3A_26, %dma_wait3A_27] : memref<11776x768xf32, #tpu.memory_space<hbm>> -> memref<11776x768xf32, #tpu.memory_space<hbm>>
    tpu.wait_indirect_dma semaphore(%arg9 : memref<!tpu.dma_semaphore, #tpu.memory_space<semaphore_mem>>) src(%arg8 : memref<96x768xf32, #tpu.memory_space<vmem>>) dst(%dma_wait3A_28 : memref<11776x768xf32, #tpu.memory_space<hbm>>)
    %dma_start3A_29 = arith.constant 1 : i32
    %dma_start3A_30 = arith.constant 0 : i32
    %dma_start3A_31 = tpu.memref_slice %arg6[%dma_start3A_29, %dma_start3A_30] : memref<2x96xi32, #tpu.memory_space<vmem>> -> memref<1x96xi32, #tpu.memory_space<vmem>>
    %dma_start3A_32 = tpu.memref_squeeze %dma_start3A_31 : memref<1x96xi32, #tpu.memory_space<vmem>> -> memref<96xi32, #tpu.memory_space<vmem>>
    %dma_start3A_33 = arith.constant 0 : i32
    %dma_start3A_34 = arith.constant 0 : i32
    %dma_start3A_35 = tpu.memref_slice %arg2[%dma_start3A_33, %dma_start3A_34] : memref<2048x768xf32, #tpu.memory_space<hbm>> -> memref<2048x768xf32, #tpu.memory_space<hbm>>
    tpu.enqueue_indirect_dma source(%dma_start3A_35 : memref<2048x768xf32, #tpu.memory_space<hbm>>) target(%arg8 : memref<96x768xf32, #tpu.memory_space<vmem>>) offsets(%dma_start3A_32 : memref<96xi32, #tpu.memory_space<vmem>>) semaphore(%arg9 : memref<!tpu.dma_semaphore, #tpu.memory_space<semaphore_mem>>)
    %dma_wait3A_36 = arith.constant 1 : i32
    %dma_wait3A_37 = arith.constant 0 : i32
    %dma_wait3A_38 = tpu.memref_slice %arg6[%dma_wait3A_36, %dma_wait3A_37] : memref<2x96xi32, #tpu.memory_space<vmem>> -> memref<1x96xi32, #tpu.memory_space<vmem>>
    %dma_wait3A_39 = tpu.memref_squeeze %dma_wait3A_38 : memref<1x96xi32, #tpu.memory_space<vmem>> -> memref<96xi32, #tpu.memory_space<vmem>>
    %dma_wait3A_40 = arith.constant 0 : i32
    %dma_wait3A_41 = arith.constant 0 : i32
    %dma_wait3A_42 = tpu.memref_slice %arg2[%dma_wait3A_40, %dma_wait3A_41] : memref<2048x768xf32, #tpu.memory_space<hbm>> -> memref<2048x768xf32, #tpu.memory_space<hbm>>
    tpu.wait_indirect_dma semaphore(%arg9 : memref<!tpu.dma_semaphore, #tpu.memory_space<semaphore_mem>>) src(%dma_wait3A_42 : memref<2048x768xf32, #tpu.memory_space<hbm>>) dst(%arg8 : memref<96x768xf32, #tpu.memory_space<vmem>>)
    %dma_start3A_43 = arith.constant 1 : i32
    %dma_start3A_44 = arith.constant 0 : i32
    %dma_start3A_45 = tpu.memref_slice %arg7[%dma_start3A_43, %dma_start3A_44] : memref<2x96xi32, #tpu.memory_space<vmem>> -> memref<1x96xi32, #tpu.memory_space<vmem>>
    %dma_start3A_46 = tpu.memref_squeeze %dma_start3A_45 : memref<1x96xi32, #tpu.memory_space<vmem>> -> memref<96xi32, #tpu.memory_space<vmem>>
    %dma_start3A_47 = arith.constant 0 : i32
    %dma_start3A_48 = arith.constant 0 : i32
    %dma_start3A_49 = tpu.memref_slice %arg5[%dma_start3A_47, %dma_start3A_48] : memref<11776x768xf32, #tpu.memory_space<hbm>> -> memref<11776x768xf32, #tpu.memory_space<hbm>>
    tpu.enqueue_indirect_dma source(%arg8 : memref<96x768xf32, #tpu.memory_space<vmem>>) target(%dma_start3A_49 : memref<11776x768xf32, #tpu.memory_space<hbm>>) offsets(%dma_start3A_46 : memref<96xi32, #tpu.memory_space<vmem>>) semaphore(%arg9 : memref<!tpu.dma_semaphore, #tpu.memory_space<semaphore_mem>>)
    %dma_wait3A_50 = arith.constant 1 : i32
    %dma_wait3A_51 = arith.constant 0 : i32
    %dma_wait3A_52 = tpu.memref_slice %arg7[%dma_wait3A_50, %dma_wait3A_51] : memref<2x96xi32, #tpu.memory_space<vmem>> -> memref<1x96xi32, #tpu.memory_space<vmem>>
    %dma_wait3A_53 = tpu.memref_squeeze %dma_wait3A_52 : memref<1x96xi32, #tpu.memory_space<vmem>> -> memref<96xi32, #tpu.memory_space<vmem>>
    %dma_wait3A_54 = arith.constant 0 : i32
    %dma_wait3A_55 = arith.constant 0 : i32
    %dma_wait3A_56 = tpu.memref_slice %arg5[%dma_wait3A_54, %dma_wait3A_55] : memref<11776x768xf32, #tpu.memory_space<hbm>> -> memref<11776x768xf32, #tpu.memory_space<hbm>>
    tpu.wait_indirect_dma semaphore(%arg9 : memref<!tpu.dma_semaphore, #tpu.memory_space<semaphore_mem>>) src(%arg8 : memref<96x768xf32, #tpu.memory_space<vmem>>) dst(%dma_wait3A_56 : memref<11776x768xf32, #tpu.memory_space<hbm>>)
    return
  }
}

module attributes {stable_mosaic.version = 14 : i64} {
  func.func @_attn_kernel(%arg0: i32, %arg1: i32, %arg2: memref<1x1024x128xf32, #tpu.memory_space<vmem>>, %arg3: memref<1x1024x128xf32, #tpu.memory_space<vmem>>, %arg4: memref<1x1024x128xf32, #tpu.memory_space<vmem>>, %arg5: memref<1x1024x128xf32, #tpu.memory_space<vmem>>) attributes {dimension_semantics = [#tpu.dimension_semantics<arbitrary>, #tpu.dimension_semantics<arbitrary>], iteration_bounds = array<i64: 2, 6>, scalar_prefetch = 0 : i64, scratch_operands = 0 : i64, tpu.core_type = #tpu.core_type<tc>, window_params = [{transform_indices = @transform_0, window_bounds = array<i64: 1, 1024, 128>}, {transform_indices = @transform_1, window_bounds = array<i64: 1, 1024, 128>}, {transform_indices = @transform_2, window_bounds = array<i64: 1, 1024, 128>}, {transform_indices = @transform_3, window_bounds = array<i64: 1, 1024, 128>}]} {
    %get3A = arith.constant 0 : index
    %get3A_0 = arith.constant 0 : index
    %get3A_1 = arith.constant 0 : index
    %get3A_2 = vector.load %arg2[%get3A, %get3A_0, %get3A_1] : memref<1x1024x128xf32, #tpu.memory_space<vmem>>, vector<1x1024x64xf32>
    %get3A_3 = vector.shape_cast %get3A_2 : vector<1x1024x64xf32> to vector<1024x64xf32>
    %get3A_4 = arith.constant 0 : index
    %get3A_5 = arith.constant 0 : index
    %get3A_6 = arith.constant 0 : index
    %get3A_7 = vector.load %arg3[%get3A_4, %get3A_5, %get3A_6] : memref<1x1024x128xf32, #tpu.memory_space<vmem>>, vector<1x1024x64xf32>
    %get3A_8 = vector.shape_cast %get3A_7 : vector<1x1024x64xf32> to vector<1024x64xf32>
    %get3A_9 = arith.constant 0 : index
    %get3A_10 = arith.constant 0 : index
    %get3A_11 = arith.constant 0 : index
    %get3A_12 = vector.load %arg4[%get3A_9, %get3A_10, %get3A_11] : memref<1x1024x128xf32, #tpu.memory_space<vmem>>, vector<1x1024x64xf32>
    %get3A_13 = vector.shape_cast %get3A_12 : vector<1x1024x64xf32> to vector<1024x64xf32>
    %convert_element_type3A = arith.truncf %get3A_3 : vector<1024x64xf32> to vector<1024x64xbf16>
    %convert_element_type3A_14 = arith.truncf %get3A_8 : vector<1024x64xf32> to vector<1024x64xbf16>
    %dot_general3A = arith.constant dense<0.000000e+00> : vector<1024x1024xf32>
    %dot_general3A_15 = tpu.matmul %convert_element_type3A, %convert_element_type3A_14, %dot_general3A {dimension_numbers = #tpu.dot_dimension_numbers<[1], [1], [0], [0], [0, 0, 1, 0], [], []>, transpose_lhs_hint = false} : vector<1024x64xbf16>, vector<1024x64xbf16>, vector<1024x1024xf32> -> vector<1024x1024xf32>
    %mul3A = arith.constant 1.250000e-01 : f32
    %mul3A_16 = vector.broadcast %mul3A : f32 to vector<1024x1024xf32>
    %mul3A_17 = arith.mulf %dot_general3A_15, %mul3A_16 : vector<1024x1024xf32>
    %exp3A = math.exp %mul3A_17 : vector<1024x1024xf32>
    %reduce_sum3A = arith.constant dense<0.000000e+00> : vector<1024xf32>
    %reduce_sum3A_18 = vector.multi_reduction <add>, %exp3A, %reduce_sum3A [1] : vector<1024x1024xf32> to vector<1024xf32>
    %broadcast_in_dim3A = vector.shape_cast %reduce_sum3A_18 : vector<1024xf32> to vector<1024x1xf32>
    %div3A = arith.constant 1.000000e+00 : f32
    %div3A_19 = vector.broadcast %div3A : f32 to vector<1024x1xf32>
    %div3A_20 = arith.divf %div3A_19, %broadcast_in_dim3A : vector<1024x1xf32>
    %convert_element_type3A_21 = arith.truncf %exp3A : vector<1024x1024xf32> to vector<1024x1024xbf16>
    %convert_element_type3A_22 = arith.truncf %get3A_13 : vector<1024x64xf32> to vector<1024x64xbf16>
    %dot_general3A_23 = arith.constant dense<0.000000e+00> : vector<1024x64xf32>
    %dot_general3A_24 = tpu.matmul %convert_element_type3A_21, %convert_element_type3A_22, %dot_general3A_23 {dimension_numbers = #tpu.dot_dimension_numbers<[1], [0], [0], [1], [0, 0, 1, 1], [], []>, transpose_lhs_hint = false} : vector<1024x1024xbf16>, vector<1024x64xbf16>, vector<1024x64xf32> -> vector<1024x64xf32>
    %mul3A_25 = vector.broadcast %div3A_20 : vector<1024x1xf32> to vector<1024x64xf32>
    %mul3A_26 = arith.mulf %dot_general3A_24, %mul3A_25 : vector<1024x64xf32>
    %swap3A = arith.constant 0 : index
    %swap3A_27 = arith.constant 0 : index
    %swap3A_28 = arith.constant 0 : index
    %swap3A_29 = vector.load %arg5[%swap3A, %swap3A_27, %swap3A_28] : memref<1x1024x128xf32, #tpu.memory_space<vmem>>, vector<1x1024x64xf32>
    %swap3A_30 = vector.shape_cast %swap3A_29 : vector<1x1024x64xf32> to vector<1024x64xf32>
    %swap3A_31 = vector.shape_cast %mul3A_26 : vector<1024x64xf32> to vector<1x1024x64xf32>
    tpu.vector_store %arg5[%swap3A, %swap3A_27, %swap3A_28], %swap3A_31 {strides = array<i32>} : memref<1x1024x128xf32, #tpu.memory_space<vmem>>, vector<1x1024x64xf32>,
    %get3A_32 = arith.constant 0 : index
    %get3A_33 = arith.constant 0 : index
    %get3A_34 = arith.constant 64 : index
    %get3A_35 = vector.load %arg2[%get3A_32, %get3A_33, %get3A_34] : memref<1x1024x128xf32, #tpu.memory_space<vmem>>, vector<1x1024x64xf32>
    %get3A_36 = vector.shape_cast %get3A_35 : vector<1x1024x64xf32> to vector<1024x64xf32>
    %get3A_37 = arith.constant 0 : index
    %get3A_38 = arith.constant 0 : index
    %get3A_39 = arith.constant 64 : index
    %get3A_40 = vector.load %arg3[%get3A_37, %get3A_38, %get3A_39] : memref<1x1024x128xf32, #tpu.memory_space<vmem>>, vector<1x1024x64xf32>
    %get3A_41 = vector.shape_cast %get3A_40 : vector<1x1024x64xf32> to vector<1024x64xf32>
    %get3A_42 = arith.constant 0 : index
    %get3A_43 = arith.constant 0 : index
    %get3A_44 = arith.constant 64 : index
    %get3A_45 = vector.load %arg4[%get3A_42, %get3A_43, %get3A_44] : memref<1x1024x128xf32, #tpu.memory_space<vmem>>, vector<1x1024x64xf32>
    %get3A_46 = vector.shape_cast %get3A_45 : vector<1x1024x64xf32> to vector<1024x64xf32>
    %convert_element_type3A_47 = arith.truncf %get3A_36 : vector<1024x64xf32> to vector<1024x64xbf16>
    %convert_element_type3A_48 = arith.truncf %get3A_41 : vector<1024x64xf32> to vector<1024x64xbf16>
    %dot_general3A_49 = arith.constant dense<0.000000e+00> : vector<1024x1024xf32>
    %dot_general3A_50 = tpu.matmul %convert_element_type3A_47, %convert_element_type3A_48, %dot_general3A_49 {dimension_numbers = #tpu.dot_dimension_numbers<[1], [1], [0], [0], [0, 0, 1, 0], [], []>, transpose_lhs_hint = false} : vector<1024x64xbf16>, vector<1024x64xbf16>, vector<1024x1024xf32> -> vector<1024x1024xf32>
    %mul3A_51 = arith.constant 1.250000e-01 : f32
    %mul3A_52 = vector.broadcast %mul3A_51 : f32 to vector<1024x1024xf32>
    %mul3A_53 = arith.mulf %dot_general3A_50, %mul3A_52 : vector<1024x1024xf32>
    %exp3A_54 = math.exp %mul3A_53 : vector<1024x1024xf32>
    %reduce_sum3A_55 = arith.constant dense<0.000000e+00> : vector<1024xf32>
    %reduce_sum3A_56 = vector.multi_reduction <add>, %exp3A_54, %reduce_sum3A_55 [1] : vector<1024x1024xf32> to vector<1024xf32>
    %broadcast_in_dim3A_57 = vector.shape_cast %reduce_sum3A_56 : vector<1024xf32> to vector<1024x1xf32>
    %div3A_58 = arith.constant 1.000000e+00 : f32
    %div3A_59 = vector.broadcast %div3A_58 : f32 to vector<1024x1xf32>
    %div3A_60 = arith.divf %div3A_59, %broadcast_in_dim3A_57 : vector<1024x1xf32>
    %convert_element_type3A_61 = arith.truncf %exp3A_54 : vector<1024x1024xf32> to vector<1024x1024xbf16>
    %convert_element_type3A_62 = arith.truncf %get3A_46 : vector<1024x64xf32> to vector<1024x64xbf16>
    %dot_general3A_63 = arith.constant dense<0.000000e+00> : vector<1024x64xf32>
    %dot_general3A_64 = tpu.matmul %convert_element_type3A_61, %convert_element_type3A_62, %dot_general3A_63 {dimension_numbers = #tpu.dot_dimension_numbers<[1], [0], [0], [1], [0, 0, 1, 1], [], []>, transpose_lhs_hint = false} : vector<1024x1024xbf16>, vector<1024x64xbf16>, vector<1024x64xf32> -> vector<1024x64xf32>
    %mul3A_65 = vector.broadcast %div3A_60 : vector<1024x1xf32> to vector<1024x64xf32>
    %mul3A_66 = arith.mulf %dot_general3A_64, %mul3A_65 : vector<1024x64xf32>
    %swap3A_67 = arith.constant 0 : index
    %swap3A_68 = arith.constant 0 : index
    %swap3A_69 = arith.constant 64 : index
    %swap3A_70 = vector.load %arg5[%swap3A_67, %swap3A_68, %swap3A_69] : memref<1x1024x128xf32, #tpu.memory_space<vmem>>, vector<1x1024x64xf32>
    %swap3A_71 = vector.shape_cast %swap3A_70 : vector<1x1024x64xf32> to vector<1024x64xf32>
    %swap3A_72 = vector.shape_cast %mul3A_66 : vector<1024x64xf32> to vector<1x1024x64xf32>
    tpu.vector_store %arg5[%swap3A_67, %swap3A_68, %swap3A_69], %swap3A_72 {strides = array<i32>} : memref<1x1024x128xf32, #tpu.memory_space<vmem>>, vector<1x1024x64xf32>,
    return
  }
  func.func @transform_0(%arg0: i32, %arg1: i32) -> (i32, i32, i32) {
    %c0_i32 = arith.constant 0 : i32
    %c0_i32_0 = arith.constant 0 : i32
    return %arg0, %c0_i32, %arg1 : i32, i32, i32
  }
  func.func @transform_1(%arg0: i32, %arg1: i32) -> (i32, i32, i32) {
    %add3A = arith.constant 6 : i32
    %add3A_0 = arith.addi %add3A, %arg1 : i32
    %c0_i32 = arith.constant 0 : i32
    %c0_i32_1 = arith.constant 0 : i32
    return %arg0, %c0_i32, %add3A_0 : i32, i32, i32
  }
  func.func @transform_2(%arg0: i32, %arg1: i32) -> (i32, i32, i32) {
    %add3A = arith.constant 12 : i32
    %add3A_0 = arith.addi %add3A, %arg1 : i32
    %c0_i32 = arith.constant 0 : i32
    %c0_i32_1 = arith.constant 0 : i32
    return %arg0, %c0_i32, %add3A_0 : i32, i32, i32
  }
  func.func @transform_3(%arg0: i32, %arg1: i32) -> (i32, i32, i32) {
    %c0_i32 = arith.constant 0 : i32
    %c0_i32_0 = arith.constant 0 : i32
    return %arg0, %c0_i32, %arg1 : i32, i32, i32
  }
}

module attributes {stable_mosaic.version = 14 : i64} {
  func.func @_qkv_kernel(%arg0: i32, %arg1: memref<256x768xf32, #tpu.memory_space<vmem>>, %arg2: memref<1x768xf32, #tpu.memory_space<vmem>>, %arg3: memref<1x768xf32, #tpu.memory_space<vmem>>, %arg4: memref<768x2304xf32, #tpu.memory_space<vmem>>, %arg5: memref<1x2304xf32, #tpu.memory_space<vmem>>, %arg6: memref<256x2304xf32, #tpu.memory_space<vmem>>) attributes {dimension_semantics = [#tpu.dimension_semantics<arbitrary>], iteration_bounds = array<i64: 8>, scalar_prefetch = 0 : i64, scratch_operands = 0 : i64, tpu.core_type = #tpu.core_type<tc>, window_params = [{transform_indices = @transform_0, window_bounds = array<i64: 256, 768>}, {pipeline_mode = #tpu.pipeline_mode<synchronous>, transform_indices = @transform_1, window_bounds = array<i64: 1, 768>}, {pipeline_mode = #tpu.pipeline_mode<synchronous>, transform_indices = @transform_2, window_bounds = array<i64: 1, 768>}, {pipeline_mode = #tpu.pipeline_mode<synchronous>, transform_indices = @transform_3, window_bounds = array<i64: 768, 2304>}, {pipeline_mode = #tpu.pipeline_mode<synchronous>, transform_indices = @transform_4, window_bounds = array<i64: 1, 2304>}, {transform_indices = @transform_5, window_bounds = array<i64: 256, 2304>}]} {
    %get3A = arith.constant 0 : index
    %get3A_0 = arith.constant 0 : index
    %get3A_1 = vector.load %arg1[%get3A, %get3A_0] : memref<256x768xf32, #tpu.memory_space<vmem>>, vector<256x768xf32>
    %get3A_2 = arith.constant 0 : index
    %get3A_3 = arith.constant 0 : index
    %get3A_4 = vector.load %arg2[%get3A_2, %get3A_3] : memref<1x768xf32, #tpu.memory_space<vmem>>, vector<1x768xf32>
    %get3A_5 = arith.constant 0 : index
    %get3A_6 = arith.constant 0 : index
    %get3A_7 = vector.load %arg3[%get3A_5, %get3A_6] : memref<1x768xf32, #tpu.memory_space<vmem>>, vector<1x768xf32>
    %reduce_sum3A = arith.constant dense<0.000000e+00> : vector<256xf32>
    %reduce_sum3A_8 = vector.multi_reduction <add>, %get3A_1, %reduce_sum3A [1] : vector<256x768xf32> to vector<256xf32>
    %broadcast_in_dim3A = vector.shape_cast %reduce_sum3A_8 : vector<256xf32> to vector<256x1xf32>
    %div3A = arith.constant 7.680000e+02 : f32
    %div3A_9 = vector.broadcast %div3A : f32 to vector<256x1xf32>
    %div3A_10 = arith.divf %broadcast_in_dim3A, %div3A_9 : vector<256x1xf32>
    %sub3A = vector.broadcast %div3A_10 : vector<256x1xf32> to vector<256x768xf32>
    %sub3A_11 = arith.subf %get3A_1, %sub3A : vector<256x768xf32>
    %integer_pow3A = arith.mulf %sub3A_11, %sub3A_11 : vector<256x768xf32>
    %reduce_sum3A_12 = arith.constant dense<0.000000e+00> : vector<256xf32>
    %reduce_sum3A_13 = vector.multi_reduction <add>, %integer_pow3A, %reduce_sum3A_12 [1] : vector<256x768xf32> to vector<256xf32>
    %broadcast_in_dim3A_14 = vector.shape_cast %reduce_sum3A_13 : vector<256xf32> to vector<256x1xf32>
    %div3A_15 = arith.constant 7.680000e+02 : f32
    %div3A_16 = vector.broadcast %div3A_15 : f32 to vector<256x1xf32>
    %div3A_17 = arith.divf %broadcast_in_dim3A_14, %div3A_16 : vector<256x1xf32>
    %sub3A_18 = vector.broadcast %div3A_10 : vector<256x1xf32> to vector<256x768xf32>
    %sub3A_19 = arith.subf %get3A_1, %sub3A_18 : vector<256x768xf32>
    %add3A = arith.constant 9.99999974E-6 : f32
    %add3A_20 = vector.broadcast %add3A : f32 to vector<256x1xf32>
    %add3A_21 = arith.addf %div3A_17, %add3A_20 : vector<256x1xf32>
    %sqrt3A = math.sqrt %add3A_21 : vector<256x1xf32>
    %div3A_22 = vector.broadcast %sqrt3A : vector<256x1xf32> to vector<256x768xf32>
    %div3A_23 = arith.divf %sub3A_19, %div3A_22 : vector<256x768xf32>
    %mul3A = vector.broadcast %get3A_4 : vector<1x768xf32> to vector<256x768xf32>
    %mul3A_24 = arith.mulf %div3A_23, %mul3A : vector<256x768xf32>
    %add3A_25 = vector.broadcast %get3A_7 : vector<1x768xf32> to vector<256x768xf32>
    %add3A_26 = arith.addf %mul3A_24, %add3A_25 : vector<256x768xf32>
    %get3A_27 = arith.constant 0 : index
    %get3A_28 = arith.constant 0 : index
    %get3A_29 = vector.load %arg4[%get3A_27, %get3A_28] : memref<768x2304xf32, #tpu.memory_space<vmem>>, vector<768x2304xf32>
    %convert_element_type3A = arith.truncf %add3A_26 : vector<256x768xf32> to vector<256x768xbf16>
    %convert_element_type3A_30 = arith.truncf %get3A_29 : vector<768x2304xf32> to vector<768x2304xbf16>
    %dot_general3A = arith.constant dense<0.000000e+00> : vector<256x2304xf32>
    %dot_general3A_31 = tpu.matmul %convert_element_type3A, %convert_element_type3A_30, %dot_general3A {dimension_numbers = #tpu.dot_dimension_numbers<[1], [0], [0], [1], [0, 0, 1, 1], [], []>, transpose_lhs_hint = false} : vector<256x768xbf16>, vector<768x2304xbf16>, vector<256x2304xf32> -> vector<256x2304xf32>
    %get3A_32 = arith.constant 0 : index
    %get3A_33 = arith.constant 0 : index
    %get3A_34 = vector.load %arg5[%get3A_32, %get3A_33] : memref<1x2304xf32, #tpu.memory_space<vmem>>, vector<1x2304xf32>
    %add3A_35 = vector.broadcast %get3A_34 : vector<1x2304xf32> to vector<256x2304xf32>
    %add3A_36 = arith.addf %dot_general3A_31, %add3A_35 : vector<256x2304xf32>
    %swap3A = arith.constant 0 : index
    %swap3A_37 = arith.constant 0 : index
    %swap3A_38 = vector.load %arg6[%swap3A, %swap3A_37] : memref<256x2304xf32, #tpu.memory_space<vmem>>, vector<256x2304xf32>
    tpu.vector_store %arg6[%swap3A, %swap3A_37], %add3A_36 {strides = array<i32>} : memref<256x2304xf32, #tpu.memory_space<vmem>>, vector<256x2304xf32>,
    return
  }
  func.func @transform_0(%arg0: i32) -> (i32, i32) {
    %c0_i32 = arith.constant 0 : i32
    %c0_i32_0 = arith.constant 0 : i32
    return %arg0, %c0_i32 : i32, i32
  }
  func.func @transform_1(%arg0: i32) -> (i32, i32) {
    %c0_i32 = arith.constant 0 : i32
    %c0_i32_0 = arith.constant 0 : i32
    %c0_i32_1 = arith.constant 0 : i32
    return %c0_i32, %c0_i32_0 : i32, i32
  }
  func.func @transform_2(%arg0: i32) -> (i32, i32) {
    %c0_i32 = arith.constant 0 : i32
    %c0_i32_0 = arith.constant 0 : i32
    %c0_i32_1 = arith.constant 0 : i32
    return %c0_i32, %c0_i32_0 : i32, i32
  }
  func.func @transform_3(%arg0: i32) -> (i32, i32) {
    %c0_i32 = arith.constant 0 : i32
    %c0_i32_0 = arith.constant 0 : i32
    %c0_i32_1 = arith.constant 0 : i32
    return %c0_i32, %c0_i32_0 : i32, i32
  }
  func.func @transform_4(%arg0: i32) -> (i32, i32) {
    %c0_i32 = arith.constant 0 : i32
    %c0_i32_0 = arith.constant 0 : i32
    %c0_i32_1 = arith.constant 0 : i32
    return %c0_i32, %c0_i32_0 : i32, i32
  }
  func.func @transform_5(%arg0: i32) -> (i32, i32) {
    %c0_i32 = arith.constant 0 : i32
    %c0_i32_0 = arith.constant 0 : i32
    return %arg0, %c0_i32 : i32, i32
  }
}

module attributes {stable_mosaic.version = 14 : i64} {
  func.func @_proj_route_kernel(%arg0: i32, %arg1: memref<2048x768xf32, #tpu.memory_space<vmem>>, %arg2: memref<2048x768xf32, #tpu.memory_space<vmem>>, %arg3: memref<768x768xf32, #tpu.memory_space<vmem>>, %arg4: memref<1x768xf32, #tpu.memory_space<vmem>>, %arg5: memref<1x768xf32, #tpu.memory_space<vmem>>, %arg6: memref<1x768xf32, #tpu.memory_space<vmem>>, %arg7: memref<768x23xf32, #tpu.memory_space<vmem>>, %arg8: memref<1x23xf32, #tpu.memory_space<vmem>>, %arg9: memref<768x576xf32, #tpu.memory_space<vmem>>, %arg10: memref<1x576xf32, #tpu.memory_space<vmem>>, %arg11: memref<576x768xf32, #tpu.memory_space<vmem>>, %arg12: memref<1x768xf32, #tpu.memory_space<vmem>>, %arg13: memref<2048x768xf32, #tpu.memory_space<vmem>>, %arg14: memref<2048x768xf32, #tpu.memory_space<vmem>>, %arg15: memref<2048x3xf32, #tpu.memory_space<vmem>>, %arg16: memref<2048x3xi32, #tpu.memory_space<vmem>>, %arg17: memref<46x1xi32, #tpu.memory_space<vmem>>, %arg18: memref<1x1xi32, #tpu.memory_space<vmem>>, %arg19: memref<1x1xf32, #tpu.memory_space<vmem>>) attributes {dimension_semantics = [#tpu.dimension_semantics<arbitrary>], iteration_bounds = array<i64: 1>, scalar_prefetch = 0 : i64, scratch_operands = 0 : i64, tpu.core_type = #tpu.core_type<tc>, window_params = [{pipeline_mode = #tpu.pipeline_mode<synchronous>, transform_indices = @transform_0, window_bounds = array<i64: 2048, 768>}, {pipeline_mode = #tpu.pipeline_mode<synchronous>, transform_indices = @transform_1, window_bounds = array<i64: 2048, 768>}, {pipeline_mode = #tpu.pipeline_mode<synchronous>, transform_indices = @transform_2, window_bounds = array<i64: 768, 768>}, {pipeline_mode = #tpu.pipeline_mode<synchronous>, transform_indices = @transform_3, window_bounds = array<i64: 1, 768>}, {pipeline_mode = #tpu.pipeline_mode<synchronous>, transform_indices = @transform_4, window_bounds = array<i64: 1, 768>}, {pipeline_mode = #tpu.pipeline_mode<synchronous>, transform_indices = @transform_5, window_bounds = array<i64: 1, 768>}, {pipeline_mode = #tpu.pipeline_mode<synchronous>, transform_indices = @transform_6, window_bounds = array<i64: 768, 23>}, {pipeline_mode = #tpu.pipeline_mode<synchronous>, transform_indices = @transform_7, window_bounds = array<i64: 1, 23>}, {pipeline_mode = #tpu.pipeline_mode<synchronous>, transform_indices = @transform_8, window_bounds = array<i64: 768, 576>}, {pipeline_mode = #tpu.pipeline_mode<synchronous>, transform_indices = @transform_9, window_bounds = array<i64: 1, 576>}, {pipeline_mode = #tpu.pipeline_mode<synchronous>, transform_indices = @transform_10, window_bounds = array<i64: 576, 768>}, {pipeline_mode = #tpu.pipeline_mode<synchronous>, transform_indices = @transform_11, window_bounds = array<i64: 1, 768>}, {pipeline_mode = #tpu.pipeline_mode<synchronous>, transform_indices = @transform_12, window_bounds = array<i64: 2048, 768>}, {pipeline_mode = #tpu.pipeline_mode<synchronous>, transform_indices = @transform_13, window_bounds = array<i64: 2048, 768>}, {pipeline_mode = #tpu.pipeline_mode<synchronous>, transform_indices = @transform_14, window_bounds = array<i64: 2048, 3>}, {pipeline_mode = #tpu.pipeline_mode<synchronous>, transform_indices = @transform_15, window_bounds = array<i64: 2048, 3>}, {pipeline_mode = #tpu.pipeline_mode<synchronous>, transform_indices = @transform_16, window_bounds = array<i64: 46, 1>}, {pipeline_mode = #tpu.pipeline_mode<synchronous>, transform_indices = @transform_17, window_bounds = array<i64: 1, 1>}, {pipeline_mode = #tpu.pipeline_mode<synchronous>, transform_indices = @transform_18, window_bounds = array<i64: 1, 1>}]} {
    %get3A = arith.constant 0 : index
    %get3A_0 = arith.constant 0 : index
    %get3A_1 = vector.load %arg1[%get3A, %get3A_0] : memref<2048x768xf32, #tpu.memory_space<vmem>>, vector<2048x768xf32>
    %get3A_2 = arith.constant 0 : index
    %get3A_3 = arith.constant 0 : index
    %get3A_4 = vector.load %arg3[%get3A_2, %get3A_3] : memref<768x768xf32, #tpu.memory_space<vmem>>, vector<768x768xf32>
    %convert_element_type3A = arith.truncf %get3A_1 : vector<2048x768xf32> to vector<2048x768xbf16>
    %convert_element_type3A_5 = arith.truncf %get3A_4 : vector<768x768xf32> to vector<768x768xbf16>
    %dot_general3A = arith.constant dense<0.000000e+00> : vector<2048x768xf32>
    %dot_general3A_6 = tpu.matmul %convert_element_type3A, %convert_element_type3A_5, %dot_general3A {dimension_numbers = #tpu.dot_dimension_numbers<[1], [0], [0], [1], [0, 0, 1, 1], [], []>, transpose_lhs_hint = false} : vector<2048x768xbf16>, vector<768x768xbf16>, vector<2048x768xf32> -> vector<2048x768xf32>
    %get3A_7 = arith.constant 0 : index
    %get3A_8 = arith.constant 0 : index
    %get3A_9 = vector.load %arg4[%get3A_7, %get3A_8] : memref<1x768xf32, #tpu.memory_space<vmem>>, vector<1x768xf32>
    %add3A = vector.broadcast %get3A_9 : vector<1x768xf32> to vector<2048x768xf32>
    %add3A_10 = arith.addf %dot_general3A_6, %add3A : vector<2048x768xf32>
    %get3A_11 = arith.constant 0 : index
    %get3A_12 = arith.constant 0 : index
    %get3A_13 = vector.load %arg2[%get3A_11, %get3A_12] : memref<2048x768xf32, #tpu.memory_space<vmem>>, vector<2048x768xf32>
    %add3A_14 = arith.addf %get3A_13, %add3A_10 : vector<2048x768xf32>
    %get3A_15 = arith.constant 0 : index
    %get3A_16 = arith.constant 0 : index
    %get3A_17 = vector.load %arg5[%get3A_15, %get3A_16] : memref<1x768xf32, #tpu.memory_space<vmem>>, vector<1x768xf32>
    %get3A_18 = arith.constant 0 : index
    %get3A_19 = arith.constant 0 : index
    %get3A_20 = vector.load %arg6[%get3A_18, %get3A_19] : memref<1x768xf32, #tpu.memory_space<vmem>>, vector<1x768xf32>
    %reduce_sum3A = arith.constant dense<0.000000e+00> : vector<2048xf32>
    %reduce_sum3A_21 = vector.multi_reduction <add>, %add3A_14, %reduce_sum3A [1] : vector<2048x768xf32> to vector<2048xf32>
    %broadcast_in_dim3A = vector.shape_cast %reduce_sum3A_21 : vector<2048xf32> to vector<2048x1xf32>
    %div3A = arith.constant 7.680000e+02 : f32
    %div3A_22 = vector.broadcast %div3A : f32 to vector<2048x1xf32>
    %div3A_23 = arith.divf %broadcast_in_dim3A, %div3A_22 : vector<2048x1xf32>
    %sub3A = vector.broadcast %div3A_23 : vector<2048x1xf32> to vector<2048x768xf32>
    %sub3A_24 = arith.subf %add3A_14, %sub3A : vector<2048x768xf32>
    %integer_pow3A = arith.mulf %sub3A_24, %sub3A_24 : vector<2048x768xf32>
    %reduce_sum3A_25 = arith.constant dense<0.000000e+00> : vector<2048xf32>
    %reduce_sum3A_26 = vector.multi_reduction <add>, %integer_pow3A, %reduce_sum3A_25 [1] : vector<2048x768xf32> to vector<2048xf32>
    %broadcast_in_dim3A_27 = vector.shape_cast %reduce_sum3A_26 : vector<2048xf32> to vector<2048x1xf32>
    %div3A_28 = arith.constant 7.680000e+02 : f32
    %div3A_29 = vector.broadcast %div3A_28 : f32 to vector<2048x1xf32>
    %div3A_30 = arith.divf %broadcast_in_dim3A_27, %div3A_29 : vector<2048x1xf32>
    %sub3A_31 = vector.broadcast %div3A_23 : vector<2048x1xf32> to vector<2048x768xf32>
    %sub3A_32 = arith.subf %add3A_14, %sub3A_31 : vector<2048x768xf32>
    %add3A_33 = arith.constant 9.99999974E-6 : f32
    %add3A_34 = vector.broadcast %add3A_33 : f32 to vector<2048x1xf32>
    %add3A_35 = arith.addf %div3A_30, %add3A_34 : vector<2048x1xf32>
    %sqrt3A = math.sqrt %add3A_35 : vector<2048x1xf32>
    %div3A_36 = vector.broadcast %sqrt3A : vector<2048x1xf32> to vector<2048x768xf32>
    %div3A_37 = arith.divf %sub3A_32, %div3A_36 : vector<2048x768xf32>
    %mul3A = vector.broadcast %get3A_17 : vector<1x768xf32> to vector<2048x768xf32>
    %mul3A_38 = arith.mulf %div3A_37, %mul3A : vector<2048x768xf32>
    %add3A_39 = vector.broadcast %get3A_20 : vector<1x768xf32> to vector<2048x768xf32>
    %add3A_40 = arith.addf %mul3A_38, %add3A_39 : vector<2048x768xf32>
    %swap3A = arith.constant 0 : index
    %swap3A_41 = arith.constant 0 : index
    %swap3A_42 = vector.load %arg14[%swap3A, %swap3A_41] : memref<2048x768xf32, #tpu.memory_space<vmem>>, vector<2048x768xf32>
    tpu.vector_store %arg14[%swap3A, %swap3A_41], %add3A_40 {strides = array<i32>} : memref<2048x768xf32, #tpu.memory_space<vmem>>, vector<2048x768xf32>,
    %get3A_43 = arith.constant 0 : index
    %get3A_44 = arith.constant 0 : index
    %get3A_45 = vector.load %arg7[%get3A_43, %get3A_44] : memref<768x23xf32, #tpu.memory_space<vmem>>, vector<768x23xf32>
    %dot_general3A_46 = arith.constant dense<0.000000e+00> : vector<2048x23xf32>
    %dot_general3A_47 = tpu.matmul %add3A_40, %get3A_45, %dot_general3A_46 {dimension_numbers = #tpu.dot_dimension_numbers<[1], [0], [0], [1], [0, 0, 1, 1], [], []>, transpose_lhs_hint = false} : vector<2048x768xf32>, vector<768x23xf32>, vector<2048x23xf32> -> vector<2048x23xf32>
    %get3A_48 = arith.constant 0 : index
    %get3A_49 = arith.constant 0 : index
    %get3A_50 = vector.load %arg8[%get3A_48, %get3A_49] : memref<1x23xf32, #tpu.memory_space<vmem>>, vector<1x23xf32>
    %add3A_51 = vector.broadcast %get3A_50 : vector<1x23xf32> to vector<2048x23xf32>
    %add3A_52 = arith.addf %dot_general3A_47, %add3A_51 : vector<2048x23xf32>
    %logistic3A = arith.negf %add3A_52 : vector<2048x23xf32>
    %logistic3A_53 = math.exp %logistic3A : vector<2048x23xf32>
    %logistic3A_54 = arith.constant 1.000000e+00 : f32
    %logistic3A_55 = vector.broadcast %logistic3A_54 : f32 to vector<2048x23xf32>
    %logistic3A_56 = arith.addf %logistic3A_55, %logistic3A_53 : vector<2048x23xf32>
    %logistic3A_57 = arith.divf %logistic3A_55, %logistic3A_56 : vector<2048x23xf32>
    %get3A_58 = arith.constant 0 : index
    %get3A_59 = arith.constant 0 : index
    %get3A_60 = vector.load %arg9[%get3A_58, %get3A_59] : memref<768x576xf32, #tpu.memory_space<vmem>>, vector<768x576xf32>
    %convert_element_type3A_61 = arith.truncf %add3A_40 : vector<2048x768xf32> to vector<2048x768xbf16>
    %convert_element_type3A_62 = arith.truncf %get3A_60 : vector<768x576xf32> to vector<768x576xbf16>
    %dot_general3A_63 = arith.constant dense<0.000000e+00> : vector<2048x576xf32>
    %dot_general3A_64 = tpu.matmul %convert_element_type3A_61, %convert_element_type3A_62, %dot_general3A_63 {dimension_numbers = #tpu.dot_dimension_numbers<[1], [0], [0], [1], [0, 0, 1, 1], [], []>, transpose_lhs_hint = false} : vector<2048x768xbf16>, vector<768x576xbf16>, vector<2048x576xf32> -> vector<2048x576xf32>
    %get3A_65 = arith.constant 0 : index
    %get3A_66 = arith.constant 0 : index
    %get3A_67 = vector.load %arg10[%get3A_65, %get3A_66] : memref<1x576xf32, #tpu.memory_space<vmem>>, vector<1x576xf32>
    %add3A_68 = vector.broadcast %get3A_67 : vector<1x576xf32> to vector<2048x576xf32>
    %add3A_69 = arith.addf %dot_general3A_64, %add3A_68 : vector<2048x576xf32>
    %mul3A_70 = arith.constant 5.000000e-01 : f32
    %mul3A_71 = vector.broadcast %mul3A_70 : f32 to vector<2048x576xf32>
    %mul3A_72 = arith.mulf %mul3A_71, %add3A_69 : vector<2048x576xf32>
    %mul3A_73 = arith.constant 0.707106769 : f32
    %mul3A_74 = vector.broadcast %mul3A_73 : f32 to vector<2048x576xf32>
    %mul3A_75 = arith.mulf %add3A_69, %mul3A_74 : vector<2048x576xf32>
    %erf3A = math.erf %mul3A_75 : vector<2048x576xf32>
    %add3A_76 = arith.constant 1.000000e+00 : f32
    %add3A_77 = vector.broadcast %add3A_76 : f32 to vector<2048x576xf32>
    %add3A_78 = arith.addf %add3A_77, %erf3A : vector<2048x576xf32>
    %mul3A_79 = arith.mulf %mul3A_72, %add3A_78 : vector<2048x576xf32>
    %get3A_80 = arith.constant 0 : index
    %get3A_81 = arith.constant 0 : index
    %get3A_82 = vector.load %arg11[%get3A_80, %get3A_81] : memref<576x768xf32, #tpu.memory_space<vmem>>, vector<576x768xf32>
    %convert_element_type3A_83 = arith.truncf %mul3A_79 : vector<2048x576xf32> to vector<2048x576xbf16>
    %convert_element_type3A_84 = arith.truncf %get3A_82 : vector<576x768xf32> to vector<576x768xbf16>
    %dot_general3A_85 = arith.constant dense<0.000000e+00> : vector<2048x768xf32>
    %dot_general3A_86 = tpu.matmul %convert_element_type3A_83, %convert_element_type3A_84, %dot_general3A_85 {dimension_numbers = #tpu.dot_dimension_numbers<[1], [0], [0], [1], [0, 0, 1, 1], [], []>, transpose_lhs_hint = false} : vector<2048x576xbf16>, vector<576x768xbf16>, vector<2048x768xf32> -> vector<2048x768xf32>
    %add3A_87 = arith.addf %add3A_14, %dot_general3A_86 : vector<2048x768xf32>
    %get3A_88 = arith.constant 0 : index
    %get3A_89 = arith.constant 0 : index
    %get3A_90 = vector.load %arg12[%get3A_88, %get3A_89] : memref<1x768xf32, #tpu.memory_space<vmem>>, vector<1x768xf32>
    %add3A_91 = vector.broadcast %get3A_90 : vector<1x768xf32> to vector<2048x768xf32>
    %add3A_92 = arith.addf %add3A_87, %add3A_91 : vector<2048x768xf32>
    %swap3A_93 = arith.constant 0 : index
    %swap3A_94 = arith.constant 0 : index
    %swap3A_95 = vector.load %arg13[%swap3A_93, %swap3A_94] : memref<2048x768xf32, #tpu.memory_space<vmem>>, vector<2048x768xf32>
    tpu.vector_store %arg13[%swap3A_93, %swap3A_94], %add3A_92 {strides = array<i32>} : memref<2048x768xf32, #tpu.memory_space<vmem>>, vector<2048x768xf32>,
    %iota3A = tpu.iota {dimensions = array<i32: 1>} : vector<2048x23xi32>
    %reduce_max3A = arith.constant dense<0xFF800000> : vector<2048xf32>
    %reduce_max3A_96 = vector.multi_reduction <maximumf>, %logistic3A_57, %reduce_max3A [1] : vector<2048x23xf32> to vector<2048xf32>
    %broadcast_in_dim3A_97 = vector.shape_cast %reduce_max3A_96 : vector<2048xf32> to vector<2048x1xf32>
    %eq3A = vector.broadcast %broadcast_in_dim3A_97 : vector<2048x1xf32> to vector<2048x23xf32>
    %eq3A_98 = arith.cmpf oeq, %logistic3A_57, %eq3A : vector<2048x23xf32>
    %jit3A = arith.constant 23 : i32
    %broadcast_in_dim3A_99 = vector.broadcast %jit3A : i32 to vector<2048x23xi32>
    %select_n3A = arith.select %eq3A_98, %iota3A, %broadcast_in_dim3A_99 : vector<2048x23xi1>, vector<2048x23xi32>
    %reduce_min3A = arith.constant dense<2147483647> : vector<2048xi32>
    %reduce_min3A_100 = vector.multi_reduction <minsi>, %select_n3A, %reduce_min3A [1] : vector<2048x23xi32> to vector<2048xi32>
    %broadcast_in_dim3A_101 = vector.shape_cast %reduce_min3A_100 : vector<2048xi32> to vector<2048x1xi32>
    %eq3A_102 = vector.broadcast %broadcast_in_dim3A_101 : vector<2048x1xi32> to vector<2048x23xi32>
    %eq3A_103 = arith.cmpi eq, %iota3A, %eq3A_102 : vector<2048x23xi32>
    %convert_element_type3A_104 = arith.extui %eq3A_103 : vector<2048x23xi1> to vector<2048x23xi32>
    %convert_element_type3A_105 = arith.sitofp %convert_element_type3A_104 : vector<2048x23xi32> to vector<2048x23xf32>
    %eq3A_106 = vector.broadcast %broadcast_in_dim3A_101 : vector<2048x1xi32> to vector<2048x23xi32>
    %eq3A_107 = arith.cmpi eq, %iota3A, %eq3A_106 : vector<2048x23xi32>
    %jit3A_108 = arith.constant -1.000000e+30 : f32
    %broadcast_in_dim3A_109 = vector.broadcast %jit3A_108 : f32 to vector<2048x23xf32>
    %select_n3A_110 = arith.select %eq3A_107, %broadcast_in_dim3A_109, %logistic3A_57 : vector<2048x23xi1>, vector<2048x23xf32>
    %reduce_max3A_111 = arith.constant dense<0xFF800000> : vector<2048xf32>
    %reduce_max3A_112 = vector.multi_reduction <maximumf>, %select_n3A_110, %reduce_max3A_111 [1] : vector<2048x23xf32> to vector<2048xf32>
    %broadcast_in_dim3A_113 = vector.shape_cast %reduce_max3A_112 : vector<2048xf32> to vector<2048x1xf32>
    %eq3A_114 = vector.broadcast %broadcast_in_dim3A_113 : vector<2048x1xf32> to vector<2048x23xf32>
    %eq3A_115 = arith.cmpf oeq, %select_n3A_110, %eq3A_114 : vector<2048x23xf32>
    %jit3A_116 = arith.constant 23 : i32
    %broadcast_in_dim3A_117 = vector.broadcast %jit3A_116 : i32 to vector<2048x23xi32>
    %select_n3A_118 = arith.select %eq3A_115, %iota3A, %broadcast_in_dim3A_117 : vector<2048x23xi1>, vector<2048x23xi32>
    %reduce_min3A_119 = arith.constant dense<2147483647> : vector<2048xi32>
    %reduce_min3A_120 = vector.multi_reduction <minsi>, %select_n3A_118, %reduce_min3A_119 [1] : vector<2048x23xi32> to vector<2048xi32>
    %broadcast_in_dim3A_121 = vector.shape_cast %reduce_min3A_120 : vector<2048xi32> to vector<2048x1xi32>
    %eq3A_122 = vector.broadcast %broadcast_in_dim3A_121 : vector<2048x1xi32> to vector<2048x23xi32>
    %eq3A_123 = arith.cmpi eq, %iota3A, %eq3A_122 : vector<2048x23xi32>
    %convert_element_type3A_124 = arith.extui %eq3A_123 : vector<2048x23xi1> to vector<2048x23xi32>
    %convert_element_type3A_125 = arith.sitofp %convert_element_type3A_124 : vector<2048x23xi32> to vector<2048x23xf32>
    %eq3A_126 = vector.broadcast %broadcast_in_dim3A_121 : vector<2048x1xi32> to vector<2048x23xi32>
    %eq3A_127 = arith.cmpi eq, %iota3A, %eq3A_126 : vector<2048x23xi32>
    %jit3A_128 = arith.constant -1.000000e+30 : f32
    %broadcast_in_dim3A_129 = vector.broadcast %jit3A_128 : f32 to vector<2048x23xf32>
    %select_n3A_130 = arith.select %eq3A_127, %broadcast_in_dim3A_129, %select_n3A_110 : vector<2048x23xi1>, vector<2048x23xf32>
    %reduce_max3A_131 = arith.constant dense<0xFF800000> : vector<2048xf32>
    %reduce_max3A_132 = vector.multi_reduction <maximumf>, %select_n3A_130, %reduce_max3A_131 [1] : vector<2048x23xf32> to vector<2048xf32>
    %broadcast_in_dim3A_133 = vector.shape_cast %reduce_max3A_132 : vector<2048xf32> to vector<2048x1xf32>
    %eq3A_134 = vector.broadcast %broadcast_in_dim3A_133 : vector<2048x1xf32> to vector<2048x23xf32>
    %eq3A_135 = arith.cmpf oeq, %select_n3A_130, %eq3A_134 : vector<2048x23xf32>
    %jit3A_136 = arith.constant 23 : i32
    %broadcast_in_dim3A_137 = vector.broadcast %jit3A_136 : i32 to vector<2048x23xi32>
    %select_n3A_138 = arith.select %eq3A_135, %iota3A, %broadcast_in_dim3A_137 : vector<2048x23xi1>, vector<2048x23xi32>
    %reduce_min3A_139 = arith.constant dense<2147483647> : vector<2048xi32>
    %reduce_min3A_140 = vector.multi_reduction <minsi>, %select_n3A_138, %reduce_min3A_139 [1] : vector<2048x23xi32> to vector<2048xi32>
    %broadcast_in_dim3A_141 = vector.shape_cast %reduce_min3A_140 : vector<2048xi32> to vector<2048x1xi32>
    %eq3A_142 = vector.broadcast %broadcast_in_dim3A_141 : vector<2048x1xi32> to vector<2048x23xi32>
    %eq3A_143 = arith.cmpi eq, %iota3A, %eq3A_142 : vector<2048x23xi32>
    %convert_element_type3A_144 = arith.extui %eq3A_143 : vector<2048x23xi1> to vector<2048x23xi32>
    %convert_element_type3A_145 = arith.sitofp %convert_element_type3A_144 : vector<2048x23xi32> to vector<2048x23xf32>
    %add3A_146 = arith.addf %broadcast_in_dim3A_97, %broadcast_in_dim3A_113 : vector<2048x1xf32>
    %add3A_147 = arith.addf %add3A_146, %broadcast_in_dim3A_133 : vector<2048x1xf32>
    %concatenate3A = tpu.concatenate %broadcast_in_dim3A_97, %broadcast_in_dim3A_113, %broadcast_in_dim3A_133 in 1 : vector<2048x1xf32>, vector<2048x1xf32>, vector<2048x1xf32> -> vector<2048x3xf32>
    %div3A_148 = vector.broadcast %add3A_147 : vector<2048x1xf32> to vector<2048x3xf32>
    %div3A_149 = arith.divf %concatenate3A, %div3A_148 : vector<2048x3xf32>
    %swap3A_150 = arith.constant 0 : index
    %swap3A_151 = arith.constant 0 : index
    %swap3A_152 = vector.load %arg15[%swap3A_150, %swap3A_151] : memref<2048x3xf32, #tpu.memory_space<vmem>>, vector<2048x3xf32>
    tpu.vector_store %arg15[%swap3A_150, %swap3A_151], %div3A_149 {strides = array<i32>} : memref<2048x3xf32, #tpu.memory_space<vmem>>, vector<2048x3xf32>,
    %add3A_153 = arith.addf %convert_element_type3A_105, %convert_element_type3A_125 : vector<2048x23xf32>
    %add3A_154 = arith.addf %add3A_153, %convert_element_type3A_145 : vector<2048x23xf32>
    %reduce_sum3A_155 = arith.constant dense<0.000000e+00> : vector<23xf32>
    %reduce_sum3A_156 = vector.multi_reduction <add>, %add3A_154, %reduce_sum3A_155 [0] : vector<2048x23xf32> to vector<23xf32>
    %broadcast_in_dim3A_157 = vector.shape_cast %reduce_sum3A_156 : vector<23xf32> to vector<1x23xf32>
    %iota3A_158 = tpu.iota {dimensions = array<i32: 0>} : vector<2048x2048xi32>
    %iota3A_159 = tpu.iota {dimensions = array<i32: 1>} : vector<2048x2048xi32>
    %gt3A = arith.cmpi sgt, %iota3A_158, %iota3A_159 : vector<2048x2048xi32>
    %convert_element_type3A_160 = arith.extui %gt3A : vector<2048x2048xi1> to vector<2048x2048xi32>
    %convert_element_type3A_161 = arith.sitofp %convert_element_type3A_160 : vector<2048x2048xi32> to vector<2048x2048xf32>
    %convert_element_type3A_162 = arith.truncf %convert_element_type3A_161 : vector<2048x2048xf32> to vector<2048x2048xbf16>
    %convert_element_type3A_163 = arith.truncf %add3A_154 : vector<2048x23xf32> to vector<2048x23xbf16>
    %dot_general3A_164 = arith.constant dense<0.000000e+00> : vector<2048x23xf32>
    %dot_general3A_165 = tpu.matmul %convert_element_type3A_162, %convert_element_type3A_163, %dot_general3A_164 {dimension_numbers = #tpu.dot_dimension_numbers<[1], [0], [0], [1], [0, 0, 1, 1], [], []>, transpose_lhs_hint = false} : vector<2048x2048xbf16>, vector<2048x23xbf16>, vector<2048x23xf32> -> vector<2048x23xf32>
    %add3A_166 = arith.constant 2.550000e+02 : f32
    %add3A_167 = vector.broadcast %add3A_166 : f32 to vector<1x23xf32>
    %add3A_168 = arith.addf %broadcast_in_dim3A_157, %add3A_167 : vector<1x23xf32>
    %mul3A_169 = arith.constant 3.906250e-03 : f32
    %mul3A_170 = vector.broadcast %mul3A_169 : f32 to vector<1x23xf32>
    %mul3A_171 = arith.mulf %add3A_168, %mul3A_170 : vector<1x23xf32>
    %floor3A = math.floor %mul3A_171 : vector<1x23xf32>
    %iota3A_172 = tpu.iota {dimensions = array<i32: 0>} : vector<23x23xi32>
    %iota3A_173 = tpu.iota {dimensions = array<i32: 1>} : vector<23x23xi32>
    %lt3A = arith.cmpi slt, %iota3A_172, %iota3A_173 : vector<23x23xi32>
    %convert_element_type3A_174 = arith.extui %lt3A : vector<23x23xi1> to vector<23x23xi32>
    %convert_element_type3A_175 = arith.sitofp %convert_element_type3A_174 : vector<23x23xi32> to vector<23x23xf32>
    %dot_general3A_176 = arith.constant dense<0.000000e+00> : vector<1x23xf32>
    %dot_general3A_177 = tpu.matmul %floor3A, %convert_element_type3A_175, %dot_general3A_176 {dimension_numbers = #tpu.dot_dimension_numbers<[1], [0], [0], [1], [0, 0, 1, 1], [], []>, transpose_lhs_hint = false} : vector<1x23xf32>, vector<23x23xf32>, vector<1x23xf32> -> vector<1x23xf32>
    %mul3A_178 = arith.constant 2.560000e+02 : f32
    %mul3A_179 = vector.broadcast %mul3A_178 : f32 to vector<1x23xf32>
    %mul3A_180 = arith.mulf %dot_general3A_177, %mul3A_179 : vector<1x23xf32>
    %add3A_181 = vector.broadcast %mul3A_180 : vector<1x23xf32> to vector<2048x23xf32>
    %add3A_182 = arith.addf %add3A_181, %dot_general3A_165 : vector<2048x23xf32>
    %mul3A_183 = arith.mulf %convert_element_type3A_105, %add3A_182 : vector<2048x23xf32>
    %reduce_sum3A_184 = arith.constant dense<0.000000e+00> : vector<2048xf32>
    %reduce_sum3A_185 = vector.multi_reduction <add>, %mul3A_183, %reduce_sum3A_184 [1] : vector<2048x23xf32> to vector<2048xf32>
    %broadcast_in_dim3A_186 = vector.shape_cast %reduce_sum3A_185 : vector<2048xf32> to vector<2048x1xf32>
    %mul3A_187 = arith.mulf %convert_element_type3A_125, %add3A_182 : vector<2048x23xf32>
    %reduce_sum3A_188 = arith.constant dense<0.000000e+00> : vector<2048xf32>
    %reduce_sum3A_189 = vector.multi_reduction <add>, %mul3A_187, %reduce_sum3A_188 [1] : vector<2048x23xf32> to vector<2048xf32>
    %broadcast_in_dim3A_190 = vector.shape_cast %reduce_sum3A_189 : vector<2048xf32> to vector<2048x1xf32>
    %mul3A_191 = arith.mulf %convert_element_type3A_145, %add3A_182 : vector<2048x23xf32>
    %reduce_sum3A_192 = arith.constant dense<0.000000e+00> : vector<2048xf32>
    %reduce_sum3A_193 = vector.multi_reduction <add>, %mul3A_191, %reduce_sum3A_192 [1] : vector<2048x23xf32> to vector<2048xf32>
    %broadcast_in_dim3A_194 = vector.shape_cast %reduce_sum3A_193 : vector<2048xf32> to vector<2048x1xf32>
    %concatenate3A_195 = tpu.concatenate %broadcast_in_dim3A_186, %broadcast_in_dim3A_190, %broadcast_in_dim3A_194 in 1 : vector<2048x1xf32>, vector<2048x1xf32>, vector<2048x1xf32> -> vector<2048x3xf32>
    %convert_element_type3A_196 = arith.fptosi %concatenate3A_195 : vector<2048x3xf32> to vector<2048x3xi32>
    %swap3A_197 = arith.constant 0 : index
    %swap3A_198 = arith.constant 0 : index
    %swap3A_199 = vector.load %arg16[%swap3A_197, %swap3A_198] : memref<2048x3xi32, #tpu.memory_space<vmem>>, vector<2048x3xi32>
    tpu.vector_store %arg16[%swap3A_197, %swap3A_198], %convert_element_type3A_196 {strides = array<i32>} : memref<2048x3xi32, #tpu.memory_space<vmem>>, vector<2048x3xi32>,
    %iota3A_200 = tpu.iota {dimensions = array<i32: 0>} : vector<46x23xi32>
    %convert_element_type3A_201 = arith.sitofp %iota3A_200 : vector<46x23xi32> to vector<46x23xf32>
    %mul3A_202 = arith.constant 2.560000e+02 : f32
    %mul3A_203 = vector.broadcast %mul3A_202 : f32 to vector<46x23xf32>
    %mul3A_204 = arith.mulf %convert_element_type3A_201, %mul3A_203 : vector<46x23xf32>
    %ge3A = vector.broadcast %mul3A_180 : vector<1x23xf32> to vector<46x23xf32>
    %ge3A_205 = arith.cmpf oge, %mul3A_204, %ge3A : vector<46x23xf32>
    %convert_element_type3A_206 = arith.extui %ge3A_205 : vector<46x23xi1> to vector<46x23xi32>
    %convert_element_type3A_207 = arith.sitofp %convert_element_type3A_206 : vector<46x23xi32> to vector<46x23xf32>
    %broadcast_in_dim3A_208 = arith.constant 1.000000e+00 : f32
    %broadcast_in_dim3A_209 = vector.broadcast %broadcast_in_dim3A_208 : f32 to vector<23x1xf32>
    %dot_general3A_210 = arith.constant dense<0.000000e+00> : vector<46x1xf32>
    %dot_general3A_211 = tpu.matmul %convert_element_type3A_207, %broadcast_in_dim3A_209, %dot_general3A_210 {dimension_numbers = #tpu.dot_dimension_numbers<[1], [0], [0], [1], [0, 0, 1, 1], [], []>, transpose_lhs_hint = false} : vector<46x23xf32>, vector<23x1xf32>, vector<46x1xf32> -> vector<46x1xf32>
    %sub3A_212 = arith.constant 1.000000e+00 : f32
    %sub3A_213 = vector.broadcast %sub3A_212 : f32 to vector<46x1xf32>
    %sub3A_214 = arith.subf %dot_general3A_211, %sub3A_213 : vector<46x1xf32>
    %convert_element_type3A_215 = arith.fptosi %sub3A_214 : vector<46x1xf32> to vector<46x1xi32>
    %swap3A_216 = arith.constant 0 : index
    %swap3A_217 = arith.constant 0 : index
    %swap3A_218 = vector.load %arg17[%swap3A_216, %swap3A_217] : memref<46x1xi32, #tpu.memory_space<vmem>>, vector<46x1xi32>
    tpu.vector_store %arg17[%swap3A_216, %swap3A_217], %convert_element_type3A_215 {strides = array<i32>} : memref<46x1xi32, #tpu.memory_space<vmem>>, vector<46x1xi32>,
    %reduce_sum3A_219 = vector.shape_cast %floor3A : vector<1x23xf32> to vector<1x1x23xf32>
    %reduce_sum3A_220 = arith.constant dense<0.000000e+00> : vector<1xf32>
    %reduce_sum3A_221 = vector.multi_reduction <add>, %reduce_sum3A_219, %reduce_sum3A_220 [1, 2] : vector<1x1x23xf32> to vector<1xf32>
    %reduce_sum3A_222 = vector.shape_cast %reduce_sum3A_221 : vector<1xf32> to vector<1x1x1xf32>
    %reduce_sum3A_223 = vector.extract %reduce_sum3A_222[0, 0, 0] : f32 from vector<1x1x1xf32>
    %broadcast_in_dim3A_224 = vector.broadcast %reduce_sum3A_223 : f32 to vector<1x1xf32>
    %convert_element_type3A_225 = arith.fptosi %broadcast_in_dim3A_224 : vector<1x1xf32> to vector<1x1xi32>
    %swap3A_226 = arith.constant 0 : index
    %swap3A_227 = arith.constant 0 : index
    %swap3A_228 = vector.load %arg18[%swap3A_226, %swap3A_227] : memref<1x1xi32, #tpu.memory_space<vmem>>, vector<1x1xi32>
    tpu.vector_store %arg18[%swap3A_226, %swap3A_227], %convert_element_type3A_225 {strides = array<i32>} : memref<1x1xi32, #tpu.memory_space<vmem>>, vector<1x1xi32>,
    %reduce_sum3A_229 = arith.constant dense<0.000000e+00> : vector<2048xf32>
    %reduce_sum3A_230 = vector.multi_reduction <add>, %logistic3A_57, %reduce_sum3A_229 [1] : vector<2048x23xf32> to vector<2048xf32>
    %broadcast_in_dim3A_231 = vector.shape_cast %reduce_sum3A_230 : vector<2048xf32> to vector<2048x1xf32>
    %div3A_232 = vector.broadcast %broadcast_in_dim3A_231 : vector<2048x1xf32> to vector<2048x23xf32>
    %div3A_233 = arith.divf %logistic3A_57, %div3A_232 : vector<2048x23xf32>
    %reduce_sum3A_234 = arith.constant dense<0.000000e+00> : vector<23xf32>
    %reduce_sum3A_235 = vector.multi_reduction <add>, %div3A_233, %reduce_sum3A_234 [0] : vector<2048x23xf32> to vector<23xf32>
    %broadcast_in_dim3A_236 = vector.shape_cast %reduce_sum3A_235 : vector<23xf32> to vector<1x23xf32>
    %div3A_237 = arith.constant 2.048000e+03 : f32
    %div3A_238 = vector.broadcast %div3A_237 : f32 to vector<1x23xf32>
    %div3A_239 = arith.divf %broadcast_in_dim3A_236, %div3A_238 : vector<1x23xf32>
    %mul3A_240 = arith.constant 0.00374348951 : f32
    %mul3A_241 = vector.broadcast %mul3A_240 : f32 to vector<1x23xf32>
    %mul3A_242 = arith.mulf %broadcast_in_dim3A_157, %mul3A_241 : vector<1x23xf32>
    %mul3A_243 = arith.mulf %div3A_239, %mul3A_242 : vector<1x23xf32>
    %reduce_sum3A_244 = vector.shape_cast %mul3A_243 : vector<1x23xf32> to vector<1x1x23xf32>
    %reduce_sum3A_245 = arith.constant dense<0.000000e+00> : vector<1xf32>
    %reduce_sum3A_246 = vector.multi_reduction <add>, %reduce_sum3A_244, %reduce_sum3A_245 [1, 2] : vector<1x1x23xf32> to vector<1xf32>
    %reduce_sum3A_247 = vector.shape_cast %reduce_sum3A_246 : vector<1xf32> to vector<1x1x1xf32>
    %reduce_sum3A_248 = vector.extract %reduce_sum3A_247[0, 0, 0] : f32 from vector<1x1x1xf32>
    %broadcast_in_dim3A_249 = vector.broadcast %reduce_sum3A_248 : f32 to vector<1x1xf32>
    %swap3A_250 = arith.constant 0 : index
    %swap3A_251 = arith.constant 0 : index
    %swap3A_252 = vector.load %arg19[%swap3A_250, %swap3A_251] : memref<1x1xf32, #tpu.memory_space<vmem>>, vector<1x1xf32>
    tpu.vector_store %arg19[%swap3A_250, %swap3A_251], %broadcast_in_dim3A_249 {strides = array<i32>} : memref<1x1xf32, #tpu.memory_space<vmem>>, vector<1x1xf32>,
    return
  }
  func.func @transform_0(%arg0: i32) -> (i32, i32) {
    %c0_i32 = arith.constant 0 : i32
    %c0_i32_0 = arith.constant 0 : i32
    %c0_i32_1 = arith.constant 0 : i32
    return %c0_i32, %c0_i32_0 : i32, i32
  }
  func.func @transform_1(%arg0: i32) -> (i32, i32) {
    %c0_i32 = arith.constant 0 : i32
    %c0_i32_0 = arith.constant 0 : i32
    %c0_i32_1 = arith.constant 0 : i32
    return %c0_i32, %c0_i32_0 : i32, i32
  }
  func.func @transform_2(%arg0: i32) -> (i32, i32) {
    %c0_i32 = arith.constant 0 : i32
    %c0_i32_0 = arith.constant 0 : i32
    %c0_i32_1 = arith.constant 0 : i32
    return %c0_i32, %c0_i32_0 : i32, i32
  }
  func.func @transform_3(%arg0: i32) -> (i32, i32) {
    %c0_i32 = arith.constant 0 : i32
    %c0_i32_0 = arith.constant 0 : i32
    %c0_i32_1 = arith.constant 0 : i32
    return %c0_i32, %c0_i32_0 : i32, i32
  }
  func.func @transform_4(%arg0: i32) -> (i32, i32) {
    %c0_i32 = arith.constant 0 : i32
    %c0_i32_0 = arith.constant 0 : i32
    %c0_i32_1 = arith.constant 0 : i32
    return %c0_i32, %c0_i32_0 : i32, i32
  }
  func.func @transform_5(%arg0: i32) -> (i32, i32) {
    %c0_i32 = arith.constant 0 : i32
    %c0_i32_0 = arith.constant 0 : i32
    %c0_i32_1 = arith.constant 0 : i32
    return %c0_i32, %c0_i32_0 : i32, i32
  }
  func.func @transform_6(%arg0: i32) -> (i32, i32) {
    %c0_i32 = arith.constant 0 : i32
    %c0_i32_0 = arith.constant 0 : i32
    %c0_i32_1 = arith.constant 0 : i32
    return %c0_i32, %c0_i32_0 : i32, i32
  }
  func.func @transform_7(%arg0: i32) -> (i32, i32) {
    %c0_i32 = arith.constant 0 : i32
    %c0_i32_0 = arith.constant 0 : i32
    %c0_i32_1 = arith.constant 0 : i32
    return %c0_i32, %c0_i32_0 : i32, i32
  }
  func.func @transform_8(%arg0: i32) -> (i32, i32) {
    %c0_i32 = arith.constant 0 : i32
    %c0_i32_0 = arith.constant 0 : i32
    %c0_i32_1 = arith.constant 0 : i32
    return %c0_i32, %c0_i32_0 : i32, i32
  }
  func.func @transform_9(%arg0: i32) -> (i32, i32) {
    %c0_i32 = arith.constant 0 : i32
    %c0_i32_0 = arith.constant 0 : i32
    %c0_i32_1 = arith.constant 0 : i32
    return %c0_i32, %c0_i32_0 : i32, i32
  }
  func.func @transform_10(%arg0: i32) -> (i32, i32) {
    %c0_i32 = arith.constant 0 : i32
    %c0_i32_0 = arith.constant 0 : i32
    %c0_i32_1 = arith.constant 0 : i32
    return %c0_i32, %c0_i32_0 : i32, i32
  }
  func.func @transform_11(%arg0: i32) -> (i32, i32) {
    %c0_i32 = arith.constant 0 : i32
    %c0_i32_0 = arith.constant 0 : i32
    %c0_i32_1 = arith.constant 0 : i32
    return %c0_i32, %c0_i32_0 : i32, i32
  }
  func.func @transform_12(%arg0: i32) -> (i32, i32) {
    %c0_i32 = arith.constant 0 : i32
    %c0_i32_0 = arith.constant 0 : i32
    %c0_i32_1 = arith.constant 0 : i32
    return %c0_i32, %c0_i32_0 : i32, i32
  }
  func.func @transform_13(%arg0: i32) -> (i32, i32) {
    %c0_i32 = arith.constant 0 : i32
    %c0_i32_0 = arith.constant 0 : i32
    %c0_i32_1 = arith.constant 0 : i32
    return %c0_i32, %c0_i32_0 : i32, i32
  }
  func.func @transform_14(%arg0: i32) -> (i32, i32) {
    %c0_i32 = arith.constant 0 : i32
    %c0_i32_0 = arith.constant 0 : i32
    %c0_i32_1 = arith.constant 0 : i32
    return %c0_i32, %c0_i32_0 : i32, i32
  }
  func.func @transform_15(%arg0: i32) -> (i32, i32) {
    %c0_i32 = arith.constant 0 : i32
    %c0_i32_0 = arith.constant 0 : i32
    %c0_i32_1 = arith.constant 0 : i32
    return %c0_i32, %c0_i32_0 : i32, i32
  }
  func.func @transform_16(%arg0: i32) -> (i32, i32) {
    %c0_i32 = arith.constant 0 : i32
    %c0_i32_0 = arith.constant 0 : i32
    %c0_i32_1 = arith.constant 0 : i32
    return %c0_i32, %c0_i32_0 : i32, i32
  }
  func.func @transform_17(%arg0: i32) -> (i32, i32) {
    %c0_i32 = arith.constant 0 : i32
    %c0_i32_0 = arith.constant 0 : i32
    %c0_i32_1 = arith.constant 0 : i32
    return %c0_i32, %c0_i32_0 : i32, i32
  }
  func.func @transform_18(%arg0: i32) -> (i32, i32) {
    %c0_i32 = arith.constant 0 : i32
    %c0_i32_0 = arith.constant 0 : i32
    %c0_i32_1 = arith.constant 0 : i32
    return %c0_i32, %c0_i32_0 : i32, i32
  }
}

module attributes {stable_mosaic.version = 14 : i64} {
  func.func @_gmm_kernel(%arg0: i32, %arg1: memref<46xi32, #tpu.memory_space<smem>>, %arg2: memref<1xi32, #tpu.memory_space<smem>>, %arg3: memref<256x768xf32, #tpu.memory_space<vmem>>, %arg4: memref<1x768x576xf32, #tpu.memory_space<vmem>>, %arg5: memref<1x1x576xf32, #tpu.memory_space<vmem>>, %arg6: memref<1x576x768xf32, #tpu.memory_space<vmem>>, %arg7: memref<1x1x768xf32, #tpu.memory_space<vmem>>, %arg8: memref<256x768xf32, #tpu.memory_space<vmem>>) attributes {dimension_semantics = [#tpu.dimension_semantics<arbitrary>], iteration_bounds = array<i64: 46>, scalar_prefetch = 2 : i64, scratch_operands = 0 : i64, tpu.core_type = #tpu.core_type<tc>, window_params = [{transform_indices = @transform_0, window_bounds = array<i64: 256, 768>}, {transform_indices = @transform_1, window_bounds = array<i64: 1, 768, 576>}, {transform_indices = @transform_2, window_bounds = array<i64: 1, 1, 576>}, {transform_indices = @transform_3, window_bounds = array<i64: 1, 576, 768>}, {transform_indices = @transform_4, window_bounds = array<i64: 1, 1, 768>}, {transform_indices = @transform_5, window_bounds = array<i64: 256, 768>}]} {
    %get3A = arith.constant 0 : index
    %get3A_0 = memref.load %arg2[%get3A] : memref<1xi32, #tpu.memory_space<smem>>
    %lt3A = arith.cmpi slt, %arg0, %get3A_0 : i32
    %convert_element_type3A = arith.extui %lt3A : i1 to i32
    %cond3A = arith.constant 0 : i32
    %cond3A_1 = arith.cmpi ne, %convert_element_type3A, %cond3A : i32
    scf.if %cond3A_1 {
      %get3A_2 = arith.constant 0 : index
      %get3A_3 = arith.constant 0 : index
      %get3A_4 = vector.load %arg3[%get3A_2, %get3A_3] : memref<256x768xf32, #tpu.memory_space<vmem>>, vector<256x768xf32>
      %get3A_5 = arith.constant 0 : index
      %get3A_6 = arith.constant 0 : index
      %get3A_7 = arith.constant 0 : index
      %get3A_8 = vector.load %arg4[%get3A_5, %get3A_6, %get3A_7] : memref<1x768x576xf32, #tpu.memory_space<vmem>>, vector<1x768x576xf32>
      %get3A_9 = vector.shape_cast %get3A_8 : vector<1x768x576xf32> to vector<768x576xf32>
      %convert_element_type3A_10 = arith.truncf %get3A_4 : vector<256x768xf32> to vector<256x768xbf16>
      %convert_element_type3A_11 = arith.truncf %get3A_9 : vector<768x576xf32> to vector<768x576xbf16>
      %dot_general3A = arith.constant dense<0.000000e+00> : vector<256x576xf32>
      %dot_general3A_12 = tpu.matmul %convert_element_type3A_10, %convert_element_type3A_11, %dot_general3A {dimension_numbers = #tpu.dot_dimension_numbers<[1], [0], [0], [1], [0, 0, 1, 1], [], []>, transpose_lhs_hint = false} : vector<256x768xbf16>, vector<768x576xbf16>, vector<256x576xf32> -> vector<256x576xf32>
      %get3A_13 = arith.constant 0 : index
      %get3A_14 = arith.constant 0 : index
      %get3A_15 = arith.constant 0 : index
      %get3A_16 = vector.load %arg5[%get3A_13, %get3A_14, %get3A_15] : memref<1x1x576xf32, #tpu.memory_space<vmem>>, vector<1x1x576xf32>
      %get3A_17 = vector.shape_cast %get3A_16 : vector<1x1x576xf32> to vector<1x576xf32>
      %add3A = vector.broadcast %get3A_17 : vector<1x576xf32> to vector<256x576xf32>
      %add3A_18 = arith.addf %dot_general3A_12, %add3A : vector<256x576xf32>
      %mul3A = arith.constant 5.000000e-01 : f32
      %mul3A_19 = vector.broadcast %mul3A : f32 to vector<256x576xf32>
      %mul3A_20 = arith.mulf %mul3A_19, %add3A_18 : vector<256x576xf32>
      %mul3A_21 = arith.constant 0.707106769 : f32
      %mul3A_22 = vector.broadcast %mul3A_21 : f32 to vector<256x576xf32>
      %mul3A_23 = arith.mulf %add3A_18, %mul3A_22 : vector<256x576xf32>
      %erf3A = math.erf %mul3A_23 : vector<256x576xf32>
      %add3A_24 = arith.constant 1.000000e+00 : f32
      %add3A_25 = vector.broadcast %add3A_24 : f32 to vector<256x576xf32>
      %add3A_26 = arith.addf %add3A_25, %erf3A : vector<256x576xf32>
      %mul3A_27 = arith.mulf %mul3A_20, %add3A_26 : vector<256x576xf32>
      %get3A_28 = arith.constant 0 : index
      %get3A_29 = arith.constant 0 : index
      %get3A_30 = arith.constant 0 : index
      %get3A_31 = vector.load %arg6[%get3A_28, %get3A_29, %get3A_30] : memref<1x576x768xf32, #tpu.memory_space<vmem>>, vector<1x576x768xf32>
      %get3A_32 = vector.shape_cast %get3A_31 : vector<1x576x768xf32> to vector<576x768xf32>
      %convert_element_type3A_33 = arith.truncf %mul3A_27 : vector<256x576xf32> to vector<256x576xbf16>
      %convert_element_type3A_34 = arith.truncf %get3A_32 : vector<576x768xf32> to vector<576x768xbf16>
      %dot_general3A_35 = arith.constant dense<0.000000e+00> : vector<256x768xf32>
      %dot_general3A_36 = tpu.matmul %convert_element_type3A_33, %convert_element_type3A_34, %dot_general3A_35 {dimension_numbers = #tpu.dot_dimension_numbers<[1], [0], [0], [1], [0, 0, 1, 1], [], []>, transpose_lhs_hint = false} : vector<256x576xbf16>, vector<576x768xbf16>, vector<256x768xf32> -> vector<256x768xf32>
      %get3A_37 = arith.constant 0 : index
      %get3A_38 = arith.constant 0 : index
      %get3A_39 = arith.constant 0 : index
      %get3A_40 = vector.load %arg7[%get3A_37, %get3A_38, %get3A_39] : memref<1x1x768xf32, #tpu.memory_space<vmem>>, vector<1x1x768xf32>
      %get3A_41 = vector.shape_cast %get3A_40 : vector<1x1x768xf32> to vector<1x768xf32>
      %add3A_42 = vector.broadcast %get3A_41 : vector<1x768xf32> to vector<256x768xf32>
      %add3A_43 = arith.addf %dot_general3A_36, %add3A_42 : vector<256x768xf32>
      %swap3A = arith.constant 0 : index
      %swap3A_44 = arith.constant 0 : index
      %swap3A_45 = vector.load %arg8[%swap3A, %swap3A_44] : memref<256x768xf32, #tpu.memory_space<vmem>>, vector<256x768xf32>
      tpu.vector_store %arg8[%swap3A, %swap3A_44], %add3A_43 {strides = array<i32>} : memref<256x768xf32, #tpu.memory_space<vmem>>, vector<256x768xf32>,
    } else {
    }
    return
  }
  func.func @transform_0(%arg0: i32, %arg1: memref<46xi32, #tpu.memory_space<smem>>, %arg2: memref<1xi32, #tpu.memory_space<smem>>) -> (i32, i32) {
    %c0_i32 = arith.constant 0 : i32
    %c0_i32_0 = arith.constant 0 : i32
    return %arg0, %c0_i32 : i32, i32
  }
  func.func @transform_1(%arg0: i32, %arg1: memref<46xi32, #tpu.memory_space<smem>>, %arg2: memref<1xi32, #tpu.memory_space<smem>>) -> (i32, i32, i32) {
    %get3A = arith.constant 0 : index
    %get3A_0 = memref.load %arg2[%get3A] : memref<1xi32, #tpu.memory_space<smem>>
    %sub3A = arith.constant 1 : i32
    %sub3A_1 = arith.subi %get3A_0, %sub3A : i32
    %min3A = arith.minsi %arg0, %sub3A_1 : i32
    %get3A_2 = arith.index_cast %min3A : i32 to index
    %get3A_3 = memref.load %arg1[%get3A_2] : memref<46xi32, #tpu.memory_space<smem>>
    %c0_i32 = arith.constant 0 : i32
    %c0_i32_4 = arith.constant 0 : i32
    %c0_i32_5 = arith.constant 0 : i32
    return %get3A_3, %c0_i32, %c0_i32_4 : i32, i32, i32
  }
  func.func @transform_2(%arg0: i32, %arg1: memref<46xi32, #tpu.memory_space<smem>>, %arg2: memref<1xi32, #tpu.memory_space<smem>>) -> (i32, i32, i32) {
    %get3A = arith.constant 0 : index
    %get3A_0 = memref.load %arg2[%get3A] : memref<1xi32, #tpu.memory_space<smem>>
    %sub3A = arith.constant 1 : i32
    %sub3A_1 = arith.subi %get3A_0, %sub3A : i32
    %min3A = arith.minsi %arg0, %sub3A_1 : i32
    %get3A_2 = arith.index_cast %min3A : i32 to index
    %get3A_3 = memref.load %arg1[%get3A_2] : memref<46xi32, #tpu.memory_space<smem>>
    %c0_i32 = arith.constant 0 : i32
    %c0_i32_4 = arith.constant 0 : i32
    %c0_i32_5 = arith.constant 0 : i32
    return %get3A_3, %c0_i32, %c0_i32_4 : i32, i32, i32
  }
  func.func @transform_3(%arg0: i32, %arg1: memref<46xi32, #tpu.memory_space<smem>>, %arg2: memref<1xi32, #tpu.memory_space<smem>>) -> (i32, i32, i32) {
    %get3A = arith.constant 0 : index
    %get3A_0 = memref.load %arg2[%get3A] : memref<1xi32, #tpu.memory_space<smem>>
    %sub3A = arith.constant 1 : i32
    %sub3A_1 = arith.subi %get3A_0, %sub3A : i32
    %min3A = arith.minsi %arg0, %sub3A_1 : i32
    %get3A_2 = arith.index_cast %min3A : i32 to index
    %get3A_3 = memref.load %arg1[%get3A_2] : memref<46xi32, #tpu.memory_space<smem>>
    %c0_i32 = arith.constant 0 : i32
    %c0_i32_4 = arith.constant 0 : i32
    %c0_i32_5 = arith.constant 0 : i32
    return %get3A_3, %c0_i32, %c0_i32_4 : i32, i32, i32
  }
  func.func @transform_4(%arg0: i32, %arg1: memref<46xi32, #tpu.memory_space<smem>>, %arg2: memref<1xi32, #tpu.memory_space<smem>>) -> (i32, i32, i32) {
    %get3A = arith.constant 0 : index
    %get3A_0 = memref.load %arg2[%get3A] : memref<1xi32, #tpu.memory_space<smem>>
    %sub3A = arith.constant 1 : i32
    %sub3A_1 = arith.subi %get3A_0, %sub3A : i32
    %min3A = arith.minsi %arg0, %sub3A_1 : i32
    %get3A_2 = arith.index_cast %min3A : i32 to index
    %get3A_3 = memref.load %arg1[%get3A_2] : memref<46xi32, #tpu.memory_space<smem>>
    %c0_i32 = arith.constant 0 : i32
    %c0_i32_4 = arith.constant 0 : i32
    %c0_i32_5 = arith.constant 0 : i32
    return %get3A_3, %c0_i32, %c0_i32_4 : i32, i32, i32
  }
  func.func @transform_5(%arg0: i32, %arg1: memref<46xi32, #tpu.memory_space<smem>>, %arg2: memref<1xi32, #tpu.memory_space<smem>>) -> (i32, i32) {
    %c0_i32 = arith.constant 0 : i32
    %c0_i32_0 = arith.constant 0 : i32
    return %arg0, %c0_i32 : i32, i32
  }
}

module attributes {stable_mosaic.version = 14 : i64} {
  func.func @_combine_kernel(%arg0: i32, %arg1: memref<256x768xf32, #tpu.memory_space<vmem>>, %arg2: memref<256x3x768xf32, #tpu.memory_space<vmem>>, %arg3: memref<256x3xf32, #tpu.memory_space<vmem>>, %arg4: memref<256x768xf32, #tpu.memory_space<vmem>>) attributes {dimension_semantics = [#tpu.dimension_semantics<arbitrary>], iteration_bounds = array<i64: 8>, scalar_prefetch = 0 : i64, scratch_operands = 0 : i64, tpu.core_type = #tpu.core_type<tc>, window_params = [{transform_indices = @transform_0, window_bounds = array<i64: 256, 768>}, {transform_indices = @transform_1, window_bounds = array<i64: 256, 3, 768>}, {transform_indices = @transform_2, window_bounds = array<i64: 256, 3>}, {transform_indices = @transform_3, window_bounds = array<i64: 256, 768>}]} {
    %get3A = arith.constant 0 : index
    %get3A_0 = arith.constant 0 : index
    %get3A_1 = vector.load %arg1[%get3A, %get3A_0] : memref<256x768xf32, #tpu.memory_space<vmem>>, vector<256x768xf32>
    %get3A_2 = arith.constant 0 : index
    %get3A_3 = arith.constant 0 : index
    %get3A_4 = vector.load %arg3[%get3A_2, %get3A_3] : memref<256x3xf32, #tpu.memory_space<vmem>>, vector<256x3xf32>
    %iota3A = tpu.iota {dimensions = array<i32: 1>} : vector<256x3xi32>
    %eq3A = arith.constant 0 : i32
    %eq3A_5 = vector.broadcast %eq3A : i32 to vector<256x3xi32>
    %eq3A_6 = arith.cmpi eq, %iota3A, %eq3A_5 : vector<256x3xi32>
    %jit3A = arith.constant 0.000000e+00 : f32
    %broadcast_in_dim3A = vector.broadcast %jit3A : f32 to vector<256x3xf32>
    %select_n3A = arith.select %eq3A_6, %get3A_4, %broadcast_in_dim3A : vector<256x3xi1>, vector<256x3xf32>
    %reduce_sum3A = arith.constant dense<0.000000e+00> : vector<256xf32>
    %reduce_sum3A_7 = vector.multi_reduction <add>, %select_n3A, %reduce_sum3A [1] : vector<256x3xf32> to vector<256xf32>
    %broadcast_in_dim3A_8 = vector.shape_cast %reduce_sum3A_7 : vector<256xf32> to vector<256x1xf32>
    %get3A_9 = arith.constant 0 : index
    %get3A_10 = arith.constant 0 : index
    %get3A_11 = arith.constant 0 : index
    %get3A_12 = vector.load %arg2[%get3A_9, %get3A_10, %get3A_11] : memref<256x3x768xf32, #tpu.memory_space<vmem>>, vector<256x1x768xf32>
    %get3A_13 = vector.shape_cast %get3A_12 : vector<256x1x768xf32> to vector<256x768xf32>
    %mul3A = vector.broadcast %broadcast_in_dim3A_8 : vector<256x1xf32> to vector<256x768xf32>
    %mul3A_14 = arith.mulf %get3A_13, %mul3A : vector<256x768xf32>
    %add3A = arith.addf %get3A_1, %mul3A_14 : vector<256x768xf32>
    %eq3A_15 = arith.constant 1 : i32
    %eq3A_16 = vector.broadcast %eq3A_15 : i32 to vector<256x3xi32>
    %eq3A_17 = arith.cmpi eq, %iota3A, %eq3A_16 : vector<256x3xi32>
    %jit3A_18 = arith.constant 0.000000e+00 : f32
    %broadcast_in_dim3A_19 = vector.broadcast %jit3A_18 : f32 to vector<256x3xf32>
    %select_n3A_20 = arith.select %eq3A_17, %get3A_4, %broadcast_in_dim3A_19 : vector<256x3xi1>, vector<256x3xf32>
    %reduce_sum3A_21 = arith.constant dense<0.000000e+00> : vector<256xf32>
    %reduce_sum3A_22 = vector.multi_reduction <add>, %select_n3A_20, %reduce_sum3A_21 [1] : vector<256x3xf32> to vector<256xf32>
    %broadcast_in_dim3A_23 = vector.shape_cast %reduce_sum3A_22 : vector<256xf32> to vector<256x1xf32>
    %get3A_24 = arith.constant 0 : index
    %get3A_25 = arith.constant 1 : index
    %get3A_26 = arith.constant 0 : index
    %get3A_27 = vector.load %arg2[%get3A_24, %get3A_25, %get3A_26] : memref<256x3x768xf32, #tpu.memory_space<vmem>>, vector<256x1x768xf32>
    %get3A_28 = vector.shape_cast %get3A_27 : vector<256x1x768xf32> to vector<256x768xf32>
    %mul3A_29 = vector.broadcast %broadcast_in_dim3A_23 : vector<256x1xf32> to vector<256x768xf32>
    %mul3A_30 = arith.mulf %get3A_28, %mul3A_29 : vector<256x768xf32>
    %add3A_31 = arith.addf %add3A, %mul3A_30 : vector<256x768xf32>
    %eq3A_32 = arith.constant 2 : i32
    %eq3A_33 = vector.broadcast %eq3A_32 : i32 to vector<256x3xi32>
    %eq3A_34 = arith.cmpi eq, %iota3A, %eq3A_33 : vector<256x3xi32>
    %jit3A_35 = arith.constant 0.000000e+00 : f32
    %broadcast_in_dim3A_36 = vector.broadcast %jit3A_35 : f32 to vector<256x3xf32>
    %select_n3A_37 = arith.select %eq3A_34, %get3A_4, %broadcast_in_dim3A_36 : vector<256x3xi1>, vector<256x3xf32>
    %reduce_sum3A_38 = arith.constant dense<0.000000e+00> : vector<256xf32>
    %reduce_sum3A_39 = vector.multi_reduction <add>, %select_n3A_37, %reduce_sum3A_38 [1] : vector<256x3xf32> to vector<256xf32>
    %broadcast_in_dim3A_40 = vector.shape_cast %reduce_sum3A_39 : vector<256xf32> to vector<256x1xf32>
    %get3A_41 = arith.constant 0 : index
    %get3A_42 = arith.constant 2 : index
    %get3A_43 = arith.constant 0 : index
    %get3A_44 = vector.load %arg2[%get3A_41, %get3A_42, %get3A_43] : memref<256x3x768xf32, #tpu.memory_space<vmem>>, vector<256x1x768xf32>
    %get3A_45 = vector.shape_cast %get3A_44 : vector<256x1x768xf32> to vector<256x768xf32>
    %mul3A_46 = vector.broadcast %broadcast_in_dim3A_40 : vector<256x1xf32> to vector<256x768xf32>
    %mul3A_47 = arith.mulf %get3A_45, %mul3A_46 : vector<256x768xf32>
    %add3A_48 = arith.addf %add3A_31, %mul3A_47 : vector<256x768xf32>
    %swap3A = arith.constant 0 : index
    %swap3A_49 = arith.constant 0 : index
    %swap3A_50 = vector.load %arg4[%swap3A, %swap3A_49] : memref<256x768xf32, #tpu.memory_space<vmem>>, vector<256x768xf32>
    tpu.vector_store %arg4[%swap3A, %swap3A_49], %add3A_48 {strides = array<i32>} : memref<256x768xf32, #tpu.memory_space<vmem>>, vector<256x768xf32>,
    return
  }
  func.func @transform_0(%arg0: i32) -> (i32, i32) {
    %c0_i32 = arith.constant 0 : i32
    %c0_i32_0 = arith.constant 0 : i32
    return %arg0, %c0_i32 : i32, i32
  }
  func.func @transform_1(%arg0: i32) -> (i32, i32, i32) {
    %c0_i32 = arith.constant 0 : i32
    %c0_i32_0 = arith.constant 0 : i32
    %c0_i32_1 = arith.constant 0 : i32
    return %arg0, %c0_i32, %c0_i32_0 : i32, i32, i32
  }
  func.func @transform_2(%arg0: i32) -> (i32, i32) {
    %c0_i32 = arith.constant 0 : i32
    %c0_i32_0 = arith.constant 0 : i32
    return %arg0, %c0_i32 : i32, i32
  }
  func.func @transform_3(%arg0: i32) -> (i32, i32) {
    %c0_i32 = arith.constant 0 : i32
    %c0_i32_0 = arith.constant 0 : i32
    return %arg0, %c0_i32 : i32, i32
  }
}

</mosaic_0001>

<sc_bundles>
// kernel: kernel.12.cloned.1.call-start
scs
__scs_entry_jumppad:
0x0: {  	(pc) =	sbr.rel $0x88, $3  }
0x1: {  	(tag) =	ssettag $0x0;
	lr =	simm.s32 $0x1  }
0x2: {  	[smem:$0x3F8E] =	sst lr;
	_ =	strace $0xD0000000  }
0x3: {  	_ = 	snop  }
0x4: {  	_ = 	snop  }
0x5: {  	_ = 	snop  }
0x6: {  	_ = 	snop  }
0x7: {  	_ = 	snop  }
__scs_overlays_trampoline_lowered:
0x8: {  	[smem:$0x3F9D] =	sst s0  }
0x9: {  	[smem:$0x3F9E] =	sst s1  }
0xa: {  	[smem:$0x3F9F] =	sst s2  }
0xb: {  	[smem:$0x3FA0] =	sst s3  }
0xc: {  	[smem:$0x3FA1] =	sst s4  }
0xd: {  	[smem:$0x3FA2] =	sst s5  }
0xe: {  	[smem:$0x3FA3] =	sst s6  }
0xf: {  	[smem:$0x3FA4] =	sst s7  }
0x10: {  	[smem:$0x3FA5] =	sst s8  }
0x11: {  	[smem:$0x3FA6] =	sst s9;
	s0 =	simm.s32 @!p0 $0x0  }
0x12: {  	s1 =	sld [smem:$0x3F8C];
	s0 =	simm.s32 @p0 $0x1  }
0x13: {  	[smem:$0x3FA7] =	sst s0;
	s0 =	simm.s32 @!p1 $0x0  }
0x14: {  	s2 =	sld [smem:$0x3F8B];
	s0 =	simm.s32 @p1 $0x1  }
0x15: {  	[smem:$0x3FA8] =	sst s0;
	s0 =	simm.s32 @!p2 $0x0  }
0x16: {  	s3 =	sld [smem:$0x3FDB];
	s0 =	simm.s32 @p2 $0x1  }
0x17: {  	s4 =	simm.s32 $0x1BF5;
	[smem:$0x3FAA] =	sst s0  }
0x18: {  	s0 =	sld [smem:$0x3F8D];
	_ =	swait.ge [sflag:s4], $0x0  }
0x19: {  	s7 =	sld [smem:$0x3F8E]  }
0x1a: {  	s8 =	sadd.s32 $0xFFFFE003, lr  }
0x1b: {  	s9 =	sadd.s32 $0xFFFFFEF7, lr;
	s5 =	simm.s32 $0xFFFFFFFF;
	p2 =	slt.u32 s8, $0xFFFFF086  }
0x1c: {  	p1 =	slt.u32 s9, $0xF7A;
	s5 =	simm.s32 @!p2 $0x0  }
0x1d: {  	s5 =	simm.s32 @p1 $0x1;
	p0 =	seq.s32 s7, s2  }
0x1e: {  	s7 =	smul.u32 @!p0 $0xF7A, s2;
	p2 =	seq.s32 @!p0 s5, $0x0  }
0x1f: {  	s9 =	smul.u32 $0xF7A, s1;
	s8 =	simm.s32 @!p0 $0x1BF5;
	p2 =	por !p2, p0  }
0x20: {  	[sflag:s8] =	ssyncset.s32 @!p0 $0xFFFFF086;
	s6 =	sadd.s32 @!p0 s3, s7;
	s7 =	simm.s32 @!p0 $0x108  }
0x21: {  	s3 =	sadd.s32 s3, s9;
	s6 =	sadd.s32 @!p0 $0x88, s6;
	s7 =	simm.s32 @p2 $0x1082  }
0x22: {  	[simem:s7], [sflag:s8] =	dma.local @!p0 [hbm:s6], $0xF7A  }
0x23: {  	s9 =	sor.u32 $0xD0000000, s2;
	s6 =	simm.s32 $0x108;
	_ =	swait.ge @!p0 [sflag:s8], $0x0  }
0x24: {  	s3 =	sadd.s32 $0x88, s3;
	s6 =	simm.s32 @!p1 $0x1082;
	[sflag:s4] =	ssyncset.s32 $0xFFFFF086  }
0x25: {  	[simem:s6], [sflag:s4] =	dma.local [hbm:s3], $0xF7A  }
0x26: {  	[smem:$0x3F8E] =	sst s1;
	(tag) =	ssettag s2;
	_ =	strace s9  }
0x27: {  	s1 =	sld [smem:$0x3F9E]  }
0x28: {  	s2 =	sld [smem:$0x3F9F]  }
0x29: {  	s4 =	sld [smem:$0x3FA1]  }
0x2a: {  	p0 =	seq.s32 s5, $0x0;
	s5 =	sld [smem:$0x3FA2]  }
0x2b: {  	s6 =	sld [smem:$0x3FA3]  }
0x2c: {  	s7 =	sld [smem:$0x3FA4]  }
0x2d: {  	s3 =	simm.s32 $0x108;
	s8 =	sld [smem:$0x3FA5]  }
0x2e: {  	s3 =	simm.s32 @!p0 $0x1082;
	s9 =	sld [smem:$0x3FA6]  }
0x2f: {  	lr =	sadd.s32 s0, s3;
	s0 =	sld [smem:$0x3F9D]  }
0x30: {  	s3 =	sld [smem:$0x3FA0]  }
0x31: {  	[smem:$0x3FA9] =	sst s10  }
0x32: {  	s10 =	sld [smem:$0x3FA7];
	_ =	sdelay $0x3  }
0x33: {  	p0 =	seq.s32 s10, $0x1;
	s10 =	sld [smem:$0x3FA9];
	_ =	sdelay $0x3  }
0x34: {  	[smem:$0x3FA9] =	sst s10  }
0x35: {  	s10 =	sld [smem:$0x3FA8];
	_ =	sdelay $0x3  }
0x36: {  	p1 =	seq.s32 s10, $0x1;
	s10 =	sld [smem:$0x3FA9];
	_ =	sdelay $0x3  }
0x37: {  	[smem:$0x3FA9] =	sst s10  }
0x38: {  	s10 =	sld [smem:$0x3FAA]  }
0x39: {  	_ = 	snop;
	(pc) =	sbr.ind lr, $3  }
0x3a: {  	_ = 	snop  }
0x3b: {  	_ = 	snop  }
0x3c: {  	p2 =	seq.s32 s10, $0x1;
	s10 =	sld [smem:$0x3FA9]  }
0x3d: {  	_ =	shalt  }
0x3e: {  	_ =	shalt  }
0x3f: {  	_ =	shalt  }
0x40: {  	_ =	shalt  }
0x41: {  	_ =	shalt  }
0x42: {  	_ =	shalt  }
0x43: {  	_ =	shalt  }
0x44: {  	_ =	shalt  }
0x45: {  	_ =	shalt  }
0x46: {  	_ =	shalt  }
0x47: {  	_ =	shalt  }
0x48: {  	_ =	shalt  }
0x49: {  	_ =	shalt  }
0x4a: {  	_ =	shalt  }
0x4b: {  	_ =	shalt  }
0x4c: {  	_ =	shalt  }
0x4d: {  	_ =	shalt  }
0x4e: {  	_ =	shalt  }
0x4f: {  	_ =	shalt  }
0x50: {  	_ =	shalt  }
0x51: {  	_ =	shalt  }
0x52: {  	_ =	shalt  }
0x53: {  	_ =	shalt  }
0x54: {  	_ =	shalt  }
0x55: {  	_ =	shalt  }
0x56: {  	_ =	shalt  }
0x57: {  	_ =	shalt  }
0x58: {  	_ =	shalt  }
0x59: {  	_ =	shalt  }
0x5a: {  	_ =	shalt  }
0x5b: {  	_ =	shalt  }
0x5c: {  	_ =	shalt  }
0x5d: {  	_ =	shalt  }
0x5e: {  	_ =	shalt  }
0x5f: {  	_ =	shalt  }
0x60: {  	_ =	shalt  }
0x61: {  	_ =	shalt  }
0x62: {  	_ =	shalt  }
0x63: {  	_ =	shalt  }
0x64: {  	_ =	shalt  }
0x65: {  	_ =	shalt  }
0x66: {  	_ =	shalt  }
0x67: {  	_ =	shalt  }
0x68: {  	_ =	shalt  }
0x69: {  	_ =	shalt  }
0x6a: {  	_ =	shalt  }
0x6b: {  	_ =	shalt  }
0x6c: {  	_ =	shalt  }
0x6d: {  	_ =	shalt  }
0x6e: {  	_ =	shalt  }
0x6f: {  	_ =	shalt  }
0x70: {  	_ =	shalt  }
0x71: {  	_ =	shalt  }
0x72: {  	_ =	shalt  }
0x73: {  	_ =	shalt  }
0x74: {  	_ =	shalt  }
0x75: {  	_ =	shalt  }
0x76: {  	_ =	shalt  }
0x77: {  	_ =	shalt  }
0x78: {  	_ =	shalt  }
0x79: {  	_ =	shalt  }
0x7a: {  	_ =	shalt  }
0x7b: {  	_ =	shalt  }
0x7c: {  	_ =	shalt  }
0x7d: {  	_ =	shalt  }
0x7e: {  	_ =	shalt  }
0x7f: {  	_ =	shalt  }
0x80: {  	_ =	shalt  }
0x81: {  	_ =	shalt  }
0x82: {  	_ =	shalt  }
0x83: {  	_ =	shalt  }
0x84: {  	_ =	shalt  }
0x85: {  	_ =	shalt  }
0x86: {  	_ =	shalt  }
0x87: {  	_ =	shalt  }
.Lfunc_end0:
.L_simem_size_0:
called_computation.1_lowered:
.L_overlay_start_0:
0x88: {  	s2 =	sld [smem:$0x3FD9]  }
0x89: {  	s3 =	sld [smem:$0x3FFE];
	_ =	sdelay $0x1  }
0x8a: {  	s1 =	srdreg.scid  }
0x8b: {  	s0 =	sand.u32 $0x1, s1  }
0x8c: {  	s16 =	sshll.u32 s0, $0xA;
	s2 =	sadd.s32 s3, s2  }
0x8d: {  	s2 =	sadd.s32 s2, s16  }
0x8e: {  	[smem:$0x3FB5] =	sst s2  }
0x8f: {  	_ = 	snop  }
0x90: {  	(tm) =	ssettm $0x1  }
0x91: {  	s17 =	sld [smem:$0x3FFB];
	_ =	sdelay $0x3  }
0x92: {  	_ =	strace s17  }
0x93: {  	s2 =	sld [smem:$0x3FFC];
	_ =	sdelay $0x3  }
0x94: {  	_ =	strace s2  }
0x95: {  	s2 =	sld [smem:$0x3FFD];
	_ =	sdelay $0x3  }
0x96: {  	_ =	strace s2  }
0x97: {  	_ =	strace $0x8FFFFFFF  }
0x98: {  	s18 =	sld [smem:$0x3FDB];
	_ =	sdelay $0x1  }
0x99: {  	s19 =	simm.s32 $_scs_section_size  }
0x9a: {  	s4 =	simm.s32 $_size__tile_overlayer_lowered;
	s5 =	simm.s32 $_tile_overlayer_lowered  }
0x9b: {  	s22 =	simm.s32 $0x1BFF;
	s21 =	sshll.u32 s5, $0x1;
	s2 =	sadd.s32 s19, s18  }
0x9c: {  	s6 =	simm.s32 $0x0;
	s20 =	sshll.u32 s4, $0x1;
	s4 =	sadd.s32 s21, s2  }
0x9d: {  	[timem:s6], [sflag:s22] =	dma.local [hbm:s4], s20  }
0x9e: {  	_ =	swait.ge [sflag:s22], s20  }
0x9f: {  	s3 =	ssub.s32 $0x0, s20;
	[sflag:s22] =	ssyncset.done $0x0  }
0xa0: {  	[sflag:s22] =	ssyncadd.s32 s3;
	_ =	sdelay $0x1  }
0xa1: {  	s23 =	simm.s32 $0x1B8B  }
0xa2: {  	_ =	swait.ge [sflag:s23], $0x1  }
0xa3: {  	[sflag:s23] =	ssyncset.done $0x0  }
0xa4: {  	s25 =	simm.s32 $0x1B8E;
	s24 =	sld [smem:$0x3FFE];
	[sflag:s23] =	ssyncadd.s32 $0xFFFFFFFF  }
0xa5: {  	s26 =	simm.s32 $execute0_lowered;
	[smem:$0x3FD2] =	sst s25  }
0xa6: {  	s4 =	sshll.u32 s26, $0x1;
	_ =	strace $0x80000049;
	[dreg:$0x1] =	wrdreg $0xFFFFFFFF  }
0xa7: {  	s28 =	simm.s32 $_size_execute0_lowered;
	s2 =	sadd.s32 s2, s4;
	[dreg:$0x0] =	wrdreg $0x0  }
0xa8: {  	s4 =	sshll.u32 s28, $0x1;
	[dreg:$0x2] =	wrdreg s2  }
0xa9: {  	[dreg:$0x3] =	wrdreg s4  }
0xaa: {  	[dreg:$0x4] =	wrdreg $0xC0  }
0xab: {  	_ =	task [dreg:s6], $0x5FFFF  }
0xac: {  	[dreg:$0x1] =	wrdreg $0xFFFFFFFF  }
0xad: {  	[dreg:$0x0] =	wrdreg $0x60  }
0xae: {  	[dreg:$0x2] =	wrdreg s24  }
0xaf: {  	[dreg:$0x3] =	wrdreg $0x9  }
0xb0: {  	_ =	task.clear_ibuf [dreg:s6], $0x4FFFF;
	_ =	strace $0x90000049  }
0xb1: {  	s29 =	simm.s32 $0x9;
	_ =	strace $0x8000004B  }
0xb2: {  	_ =	swait.ge [sflag:s29], $0x1  }
0xb3: {  	[sflag:s29] =	ssyncadd.s32 $0xFFFFFFFF  }
0xb4: {  	_ =	strace $0x9000004B  }
0xb5: {  	_ =	sfence  }
0xb6: {  	s30 =	sld [smem:$0x0];
	_ =	sdelay $0x2  }
0xb7: {  	s31 =	sshll.u32 s1, $0xD;
	s1 =	sshrl.u32 s1, $0x2  }
0xb8: {  	s3 =	sand.u32 $0x4000, s31;
	s1 =	sadd.s32 s1, s30  }
0xb9: {  	s0 =	sor.u32 s3, s0;
	s1 =	sshll.u32 s1, $0x11  }
0xba: {  	s0 =	sor.u32 s1, s0  }
0xbb: {  	s0 =	sadd.s32 $0x8F2B, s0  }
0xbc: {  	[sflag:s0] =	ssyncadd.remote.s32 $0x1  }
0xbd: {  	_ =	sfence.sel $0xFFFF  }
0xbe: {  	[dreg:$0x0] =	wrdreg $0xFFFFFFFF;
	(pc) =	sbr.abs _section_cstart, $3  }
0xbf: {  	[dreg:$0x1] =	wrdreg $0xFFFFFFFF  }
0xc0: {  	_ =	task.clear_ibuf [dreg:s6], $0x2FFFF;
	_ =	strace $0x9FFFFFFF  }
0xc1: {  	(tm) =	ssettm $0x7FFFFFFF  }
tec
execute0_lowered:
.L_overlay_start_1:
0x0: {  	(tag) =	ssettag $0x1  }
0x1: {  	s0 =	srdreg.scid  }
0x2: {  	s2 =	stileid.u32;
	s1 =	rddreg [dreg:$0x0]  }
0x3: {  	s20 =	simm.s32 $0x1;
	s22 =	simm.s32 $0x900;
	s23 =	simm.s32 $0x1100  }
0x4: {  	s24 =	simm.s32 $0x1900;
	s25 =	simm.s32 $0x2100;
	s28 =	simm.s32 $0x3100  }
0x5: {  	s29 =	simm.s32 $0x3900;
	s30 =	simm.s32 $0x4100;
	s31 =	simm.s32 $0x4900  }
0x6: {  	s9 =	simm.s32 $0x6100;
	s10 =	simm.s32 $0x6900;
	s11 =	simm.s32 $0x7100  }
0x7: {  	s12 =	simm.s32 $0x7900;
	s13 =	simm.s32 $0x8100;
	s14 =	simm.s32 $0x8900  }
0x8: {  	s15 =	simm.s32 $0x9100;
	s16 =	simm.s32 $0x9900;
	s17 =	simm.s32 $0xA100  }
0x9: {  	s18 =	simm.s32 $0xA900;
	s19 =	simm.s32 $0xB100;
	s0 =	sand.u32 $0x1, s0  }
0xa: {  	s3 =	sshll.u32 s2, $0x1;
	s2 =	simm.s32 $0x0;
	s7 =	sadd.s32 $0x3B000, s1  }
0xb: {  	s4 =	sor.u32 s0, s3;
	[smem:$0x7FF] =	sst s2;
	s3 =	sadd.s32 $0x2A8000, s1  }
0xc: {  	s0 =	ssub.s32 $0x2, s0;
	s5 =	smul.u32 $0xC0, s4;
	s6 =	sshll.u32 s4, $0x5  }
0xd: {  	_ =	strace $0x8000004A;
	s4 =	smul.u32 $0x4800, s4;
	s6 =	sadd.s32 s6, s1  }
0xe: {  	s8 =	sshrl.u32 s0, $0x1;
	s5 =	sshrl.u32 s5, $0x3;
	s6 =	sadd.s32 $0x3AC00, s6  }
0xf: {  	s4 =	sadd.s32 s7, s4;
	s5 =	smul.u32 $0x300, s5;
	[dreg:$0x2] =	wrdreg s6  }
0x10: {  	s0 =	ssub.s32 s0, s8;
	s8 =	simm.s32 $0xB900;
	[dreg:$0x3] =	wrdreg s4  }
0x11: {  	v2 =	vlaneseq.u32;
	s4 =	sadd.s32 $0x2A8100, s1;
	s6 =	smax.u32 s0, $0x1;
	s5 =	sadd.s32 s7, s5  }
0x12: {  	vm0 =	vmmov $0xffff;
	v1 =	vshrl.u32 v2, $0x3;
	s7 =	simm.s32 $0x2;
	s26 =	sadd.s32 $0x2400, s5;
	s5 =	sadd.s32 $0x2A8200, s1  }
0x13: {  	v0 =	vand.u32 $0x7, v2;
	v2 =	vor.u32 $0x8, v2;
	v1 =	vmul.u32 $0x8, v1;
	s1 =	simm.s32 $0x5100;
	[dreg:$0x4] =	wrdreg s26;
	s26 =	simm.s32 $0x2900  }
.LBB2_1:
0x14: {  	s21 =	rddreg [dreg:$0x2]  }
0x15: {  	[tilespmem:s2], [sflag:$0x2] =	stream.linear.gather [hbm4b:s21+s2], $0x100, $0x38;
	[tilespmem:$0x12100] =	vst v63  }
0x16: {  	_ =	swait.ge [sflag:s7], $0x100  }
0x17: {  	[sflag:s7] =	ssyncset.done $0x0  }
0x18: {  	[sflag:s7] =	ssyncadd.s32 $0xFFFFFF00  }
0x19: {  	v3 =	vld [tilespmem:$0x0];
	_ =	sdelay $0x4  }
0x1a: {  	v4 =	vshrl.u32 v3, $0x3  }
0x1b: {  	v4 =	vmul.u32 $0x30, v4  }
0x1c: {  	v3 =	vand.u32 $0x7, v3  }
0x1d: {  	v3 =	vor.u32 v3, v4  }
0x1e: {  	v4 =	vperm.xlane v3, v0;
	_ =	sdelay $0x1  }
0x1f: {  	v4 =	vadd.s32 v1, v4;
	_ =	sdelay $0x3  }
0x20: {  	s0 =	simm.s32 $0x100;
	v3 =	vperm.xlane v3, v2  }
0x21: {  	[tilespmem:s0], [sflag:$0x1] =	stream.indirect_vreg.gather [hbm4b:s3+s2], $0x80, v4, vm0, $0xb8;
	[tilespmem:$0x12100] =	vst v63  }
0x22: {  	v3 =	vadd.s32 v1, v3  }
0x23: {  	[tilespmem:s22], [sflag:$0x1] =	stream.indirect_vreg.gather [hbm4b:s4+s2], $0x80, v4, vm0, $0xb8;
	[tilespmem:$0x12100] =	vst v63  }
0x24: {  	_ = 	snop  }
0x25: {  	[tilespmem:s23], [sflag:$0x1] =	stream.indirect_vreg.gather [hbm4b:s5+s2], $0x80, v4, vm0, $0xb8;
	[tilespmem:$0x12100] =	vst v63  }
0x26: {  	_ = 	snop  }
0x27: {  	[tilespmem:s24], [sflag:$0x1] =	stream.indirect_vreg.gather [hbm4b:s3+s2], $0x80, v3, vm0, $0xb8;
	[tilespmem:$0x12100] =	vst v63  }
0x28: {  	_ = 	snop  }
0x29: {  	[tilespmem:s25], [sflag:$0x1] =	stream.indirect_vreg.gather [hbm4b:s4+s2], $0x80, v3, vm0, $0xb8;
	[tilespmem:$0x12100] =	vst v63  }
0x2a: {  	_ = 	snop  }
0x2b: {  	[tilespmem:s26], [sflag:$0x1] =	stream.indirect_vreg.gather [hbm4b:s5+s2], $0x80, v3, vm0, $0xb8;
	[tilespmem:$0x12100] =	vst v63  }
0x2c: {  	v3 =	vld [tilespmem:$0x10];
	_ =	sdelay $0x4  }
0x2d: {  	v53 =	vshrl.u32 v3, $0x3  }
0x2e: {  	v4 =	vmul.u32 $0x30, v53  }
0x2f: {  	v3 =	vand.u32 $0x7, v3  }
0x30: {  	v3 =	vor.u32 v3, v4  }
0x31: {  	v4 =	vperm.xlane v3, v0;
	_ =	sdelay $0x1  }
0x32: {  	v4 =	vadd.s32 v1, v4;
	_ =	sdelay $0x3  }
0x33: {  	v3 =	vperm.xlane v3, v2  }
0x34: {  	[tilespmem:s28], [sflag:$0x1] =	stream.indirect_vreg.gather [hbm4b:s3+s2], $0x80, v4, vm0, $0xb8;
	[tilespmem:$0x12100] =	vst v63  }
0x35: {  	v3 =	vadd.s32 v1, v3  }
0x36: {  	[tilespmem:s29], [sflag:$0x1] =	stream.indirect_vreg.gather [hbm4b:s4+s2], $0x80, v4, vm0, $0xb8;
	[tilespmem:$0x12100] =	vst v63  }
0x37: {  	_ = 	snop  }
0x38: {  	[tilespmem:s30], [sflag:$0x1] =	stream.indirect_vreg.gather [hbm4b:s5+s2], $0x80, v4, vm0, $0xb8;
	[tilespmem:$0x12100] =	vst v63  }
0x39: {  	_ = 	snop  }
0x3a: {  	[tilespmem:s31], [sflag:$0x1] =	stream.indirect_vreg.gather [hbm4b:s3+s2], $0x80, v3, vm0, $0xb8;
	[tilespmem:$0x12100] =	vst v63  }
0x3b: {  	_ = 	snop  }
0x3c: {  	[tilespmem:s1], [sflag:$0x1] =	stream.indirect_vreg.gather [hbm4b:s4+s2], $0x80, v3, vm0, $0xb8;
	[tilespmem:$0x12100] =	vst v63  }
0x3d: {  	s21 =	simm.s32 $0x5900  }
0x3e: {  	[tilespmem:s21], [sflag:$0x1] =	stream.indirect_vreg.gather [hbm4b:s5+s2], $0x80, v3, vm0, $0xb8;
	[tilespmem:$0x12100] =	vst v63  }
0x3f: {  	v3 =	vld [tilespmem:$0x20];
	_ =	sdelay $0x4  }
0x40: {  	v54 =	vshrl.u32 v3, $0x3  }
0x41: {  	v4 =	vmul.u32 $0x30, v54  }
0x42: {  	v3 =	vand.u32 $0x7, v3  }
0x43: {  	v3 =	vor.u32 v3, v4  }
0x44: {  	v4 =	vperm.xlane v3, v0;
	_ =	sdelay $0x1  }
0x45: {  	v4 =	vadd.s32 v1, v4;
	_ =	sdelay $0x3  }
0x46: {  	v3 =	vperm.xlane v3, v2  }
0x47: {  	[tilespmem:s9], [sflag:$0x1] =	stream.indirect_vreg.gather [hbm4b:s3+s2], $0x80, v4, vm0, $0xb8;
	[tilespmem:$0x12100] =	vst v63  }
0x48: {  	v3 =	vadd.s32 v1, v3  }
0x49: {  	[tilespmem:s10], [sflag:$0x1] =	stream.indirect_vreg.gather [hbm4b:s4+s2], $0x80, v4, vm0, $0xb8;
	[tilespmem:$0x12100] =	vst v63  }
0x4a: {  	_ = 	snop  }
0x4b: {  	[tilespmem:s11], [sflag:$0x1] =	stream.indirect_vreg.gather [hbm4b:s5+s2], $0x80, v4, vm0, $0xb8;
	[tilespmem:$0x12100] =	vst v63  }
0x4c: {  	_ = 	snop  }
0x4d: {  	[tilespmem:s12], [sflag:$0x1] =	stream.indirect_vreg.gather [hbm4b:s3+s2], $0x80, v3, vm0, $0xb8;
	[tilespmem:$0x12100] =	vst v63  }
0x4e: {  	_ = 	snop  }
0x4f: {  	[tilespmem:s13], [sflag:$0x1] =	stream.indirect_vreg.gather [hbm4b:s4+s2], $0x80, v3, vm0, $0xb8;
	[tilespmem:$0x12100] =	vst v63  }
0x50: {  	_ = 	snop  }
0x51: {  	[tilespmem:s14], [sflag:$0x1] =	stream.indirect_vreg.gather [hbm4b:s5+s2], $0x80, v3, vm0, $0xb8;
	[tilespmem:$0x12100] =	vst v63  }
0x52: {  	v3 =	vld [tilespmem:$0x30];
	_ =	sdelay $0x4  }
0x53: {  	v55 =	vshrl.u32 v3, $0x3  }
0x54: {  	v4 =	vmul.u32 $0x30, v55  }
0x55: {  	v3 =	vand.u32 $0x7, v3  }
0x56: {  	v3 =	vor.u32 v3, v4  }
0x57: {  	v4 =	vperm.xlane v3, v0;
	_ =	sdelay $0x1  }
0x58: {  	v4 =	vadd.s32 v1, v4;
	_ =	sdelay $0x3  }
0x59: {  	v3 =	vperm.xlane v3, v2  }
0x5a: {  	[tilespmem:s15], [sflag:$0x1] =	stream.indirect_vreg.gather [hbm4b:s3+s2], $0x80, v4, vm0, $0xb8;
	[tilespmem:$0x12100] =	vst v63  }
0x5b: {  	v3 =	vadd.s32 v1, v3  }
0x5c: {  	[tilespmem:s16], [sflag:$0x1] =	stream.indirect_vreg.gather [hbm4b:s4+s2], $0x80, v4, vm0, $0xb8;
	[tilespmem:$0x12100] =	vst v63  }
0x5d: {  	_ = 	snop  }
0x5e: {  	[tilespmem:s17], [sflag:$0x1] =	stream.indirect_vreg.gather [hbm4b:s5+s2], $0x80, v4, vm0, $0xb8;
	[tilespmem:$0x12100] =	vst v63  }
0x5f: {  	_ = 	snop  }
0x60: {  	[tilespmem:s18], [sflag:$0x1] =	stream.indirect_vreg.gather [hbm4b:s3+s2], $0x80, v3, vm0, $0xb8;
	[tilespmem:$0x12100] =	vst v63  }
0x61: {  	_ = 	snop  }
0x62: {  	[tilespmem:s19], [sflag:$0x1] =	stream.indirect_vreg.gather [hbm4b:s4+s2], $0x80, v3, vm0, $0xb8;
	[tilespmem:$0x12100] =	vst v63  }
0x63: {  	_ = 	snop  }
0x64: {  	[tilespmem:s8], [sflag:$0x1] =	stream.indirect_vreg.gather [hbm4b:s5+s2], $0x80, v3, vm0, $0xb8;
	[tilespmem:$0x12100] =	vst v63  }
0x65: {  	v3 =	vld [tilespmem:$0x40];
	_ =	sdelay $0x4  }
0x66: {  	v56 =	vshrl.u32 v3, $0x3  }
0x67: {  	v4 =	vmul.u32 $0x30, v56  }
0x68: {  	v3 =	vand.u32 $0x7, v3  }
0x69: {  	v3 =	vor.u32 v3, v4  }
0x6a: {  	v4 =	vperm.xlane v3, v0;
	_ =	sdelay $0x1  }
0x6b: {  	v4 =	vadd.s32 v1, v4;
	_ =	sdelay $0x3  }
0x6c: {  	s21 =	simm.s32 $0xC100;
	v3 =	vperm.xlane v3, v2  }
0x6d: {  	[tilespmem:s21], [sflag:$0x1] =	stream.indirect_vreg.gather [hbm4b:s3+s2], $0x80, v4, vm0, $0xb8;
	[tilespmem:$0x12100] =	vst v63  }
0x6e: {  	v3 =	vadd.s32 v1, v3;
	s21 =	simm.s32 $0xC900  }
0x6f: {  	[tilespmem:s21], [sflag:$0x1] =	stream.indirect_vreg.gather [hbm4b:s4+s2], $0x80, v4, vm0, $0xb8;
	[tilespmem:$0x12100] =	vst v63  }
0x70: {  	s21 =	simm.s32 $0xD100  }
0x71: {  	[tilespmem:s21], [sflag:$0x1] =	stream.indirect_vreg.gather [hbm4b:s5+s2], $0x80, v4, vm0, $0xb8;
	[tilespmem:$0x12100] =	vst v63  }
0x72: {  	s21 =	simm.s32 $0xD900  }
0x73: {  	[tilespmem:s21], [sflag:$0x1] =	stream.indirect_vreg.gather [hbm4b:s3+s2], $0x80, v3, vm0, $0xb8;
	[tilespmem:$0x12100] =	vst v63  }
0x74: {  	s21 =	simm.s32 $0xE100  }
0x75: {  	[tilespmem:s21], [sflag:$0x1] =	stream.indirect_vreg.gather [hbm4b:s4+s2], $0x80, v3, vm0, $0xb8;
	[tilespmem:$0x12100] =	vst v63  }
0x76: {  	s21 =	simm.s32 $0xE900  }
0x77: {  	[tilespmem:s21], [sflag:$0x1] =	stream.indirect_vreg.gather [hbm4b:s5+s2], $0x80, v3, vm0, $0xb8;
	[tilespmem:$0x12100] =	vst v63  }
0x78: {  	v3 =	vld [tilespmem:$0x50];
	_ =	sdelay $0x4  }
0x79: {  	v57 =	vshrl.u32 v3, $0x3  }
0x7a: {  	v4 =	vmul.u32 $0x30, v57  }
0x7b: {  	v3 =	vand.u32 $0x7, v3  }
0x7c: {  	v3 =	vor.u32 v3, v4  }
0x7d: {  	v4 =	vperm.xlane v3, v0;
	_ =	sdelay $0x1  }
0x7e: {  	v4 =	vadd.s32 v1, v4;
	_ =	sdelay $0x3  }
0x7f: {  	s21 =	simm.s32 $0xF100;
	v3 =	vperm.xlane v3, v2  }
0x80: {  	[tilespmem:s21], [sflag:$0x1] =	stream.indirect_vreg.gather [hbm4b:s3+s2], $0x80, v4, vm0, $0xb8;
	[tilespmem:$0x12100] =	vst v63  }
0x81: {  	v3 =	vadd.s32 v1, v3;
	s21 =	simm.s32 $0xF900  }
0x82: {  	[tilespmem:s21], [sflag:$0x1] =	stream.indirect_vreg.gather [hbm4b:s4+s2], $0x80, v4, vm0, $0xb8;
	[tilespmem:$0x12100] =	vst v63  }
0x83: {  	s21 =	simm.s32 $0x10100  }
0x84: {  	[tilespmem:s21], [sflag:$0x1] =	stream.indirect_vreg.gather [hbm4b:s5+s2], $0x80, v4, vm0, $0xb8;
	[tilespmem:$0x12100] =	vst v63  }
0x85: {  	s21 =	simm.s32 $0x10900  }
0x86: {  	[tilespmem:s21], [sflag:$0x1] =	stream.indirect_vreg.gather [hbm4b:s3+s2], $0x80, v3, vm0, $0xb8;
	[tilespmem:$0x12100] =	vst v63  }
0x87: {  	s21 =	simm.s32 $0x11100  }
0x88: {  	[tilespmem:s21], [sflag:$0x1] =	stream.indirect_vreg.gather [hbm4b:s4+s2], $0x80, v3, vm0, $0xb8;
	[tilespmem:$0x12100] =	vst v63  }
0x89: {  	s21 =	simm.s32 $0x11900  }
0x8a: {  	[tilespmem:s21], [sflag:$0x1] =	stream.indirect_vreg.gather [hbm4b:s5+s2], $0x80, v3, vm0, $0xb8;
	[tilespmem:$0x12100] =	vst v63  }
0x8b: {  	_ =	swait.ge [sflag:s20], $0x12000  }
0x8c: {  	[sflag:s20] =	ssyncset.done $0x0  }
0x8d: {  	s0 =	simm.s32 $0x100;
	s21 =	rddreg [dreg:$0x3];
	[sflag:s20] =	ssyncadd.s32 $0xFFFEE000  }
0x8e: {  	[hbm4b:s21+s2] =	stream.linear.scatter [tilespmem:s0], [sflag:$0x2], $0x12000, $0x38;
	[tilespmem:$0x12100] =	vst v63  }
0x8f: {  	_ =	swait.ge [sflag:s7], $0x12000  }
0x90: {  	[sflag:s7] =	ssyncset.done $0x0  }
0x91: {  	[sflag:s7] =	ssyncadd.s32 $0xFFFEE000  }
0x92: {  	v3 =	vld [tilespmem:$0x80];
	_ =	sdelay $0x4  }
0x93: {  	v58 =	vshrl.u32 v3, $0x3  }
0x94: {  	v4 =	vmul.u32 $0x30, v58  }
0x95: {  	v3 =	vand.u32 $0x7, v3  }
0x96: {  	v3 =	vor.u32 v3, v4  }
0x97: {  	v4 =	vperm.xlane v3, v0;
	_ =	sdelay $0x1  }
0x98: {  	v4 =	vadd.s32 v1, v4;
	_ =	sdelay $0x3  }
0x99: {  	v3 =	vperm.xlane v3, v2  }
0x9a: {  	[tilespmem:s0], [sflag:$0x1] =	stream.indirect_vreg.gather [hbm4b:s3+s2], $0x80, v4, vm0, $0xb8;
	[tilespmem:$0x12100] =	vst v63  }
0x9b: {  	v3 =	vadd.s32 v1, v3  }
0x9c: {  	[tilespmem:s22], [sflag:$0x1] =	stream.indirect_vreg.gather [hbm4b:s4+s2], $0x80, v4, vm0, $0xb8;
	[tilespmem:$0x12100] =	vst v63  }
0x9d: {  	_ = 	snop  }
0x9e: {  	[tilespmem:s23], [sflag:$0x1] =	stream.indirect_vreg.gather [hbm4b:s5+s2], $0x80, v4, vm0, $0xb8;
	[tilespmem:$0x12100] =	vst v63  }
0x9f: {  	_ = 	snop  }
0xa0: {  	[tilespmem:s24], [sflag:$0x1] =	stream.indirect_vreg.gather [hbm4b:s3+s2], $0x80, v3, vm0, $0xb8;
	[tilespmem:$0x12100] =	vst v63  }
0xa1: {  	_ = 	snop  }
0xa2: {  	[tilespmem:s25], [sflag:$0x1] =	stream.indirect_vreg.gather [hbm4b:s4+s2], $0x80, v3, vm0, $0xb8;
	[tilespmem:$0x12100] =	vst v63  }
0xa3: {  	_ = 	snop  }
0xa4: {  	[tilespmem:s26], [sflag:$0x1] =	stream.indirect_vreg.gather [hbm4b:s5+s2], $0x80, v3, vm0, $0xb8;
	[tilespmem:$0x12100] =	vst v63  }
0xa5: {  	v3 =	vld [tilespmem:$0x90];
	_ =	sdelay $0x4  }
0xa6: {  	v59 =	vshrl.u32 v3, $0x3  }
0xa7: {  	v4 =	vmul.u32 $0x30, v59  }
0xa8: {  	v3 =	vand.u32 $0x7, v3  }
0xa9: {  	v3 =	vor.u32 v3, v4  }
0xaa: {  	v4 =	vperm.xlane v3, v0;
	_ =	sdelay $0x1  }
0xab: {  	v4 =	vadd.s32 v1, v4;
	_ =	sdelay $0x3  }
0xac: {  	v3 =	vperm.xlane v3, v2  }
0xad: {  	[tilespmem:s28], [sflag:$0x1] =	stream.indirect_vreg.gather [hbm4b:s3+s2], $0x80, v4, vm0, $0xb8;
	[tilespmem:$0x12100] =	vst v63  }
0xae: {  	v3 =	vadd.s32 v1, v3  }
0xaf: {  	[tilespmem:s29], [sflag:$0x1] =	stream.indirect_vreg.gather [hbm4b:s4+s2], $0x80, v4, vm0, $0xb8;
	[tilespmem:$0x12100] =	vst v63  }
0xb0: {  	_ = 	snop  }
0xb1: {  	[tilespmem:s30], [sflag:$0x1] =	stream.indirect_vreg.gather [hbm4b:s5+s2], $0x80, v4, vm0, $0xb8;
	[tilespmem:$0x12100] =	vst v63  }
0xb2: {  	_ = 	snop  }
0xb3: {  	[tilespmem:s31], [sflag:$0x1] =	stream.indirect_vreg.gather [hbm4b:s3+s2], $0x80, v3, vm0, $0xb8;
	[tilespmem:$0x12100] =	vst v63  }
0xb4: {  	_ = 	snop  }
0xb5: {  	[tilespmem:s1], [sflag:$0x1] =	stream.indirect_vreg.gather [hbm4b:s4+s2], $0x80, v3, vm0, $0xb8;
	[tilespmem:$0x12100] =	vst v63  }
0xb6: {  	s21 =	simm.s32 $0x5900  }
0xb7: {  	[tilespmem:s21], [sflag:$0x1] =	stream.indirect_vreg.gather [hbm4b:s5+s2], $0x80, v3, vm0, $0xb8;
	[tilespmem:$0x12100] =	vst v63  }
0xb8: {  	v3 =	vld [tilespmem:$0xA0];
	_ =	sdelay $0x4  }
0xb9: {  	v60 =	vshrl.u32 v3, $0x3  }
0xba: {  	v4 =	vmul.u32 $0x30, v60  }
0xbb: {  	v3 =	vand.u32 $0x7, v3  }
0xbc: {  	v3 =	vor.u32 v3, v4  }
0xbd: {  	v4 =	vperm.xlane v3, v0;
	_ =	sdelay $0x1  }
0xbe: {  	v4 =	vadd.s32 v1, v4;
	_ =	sdelay $0x3  }
0xbf: {  	v3 =	vperm.xlane v3, v2  }
0xc0: {  	[tilespmem:s9], [sflag:$0x1] =	stream.indirect_vreg.gather [hbm4b:s3+s2], $0x80, v4, vm0, $0xb8;
	[tilespmem:$0x12100] =	vst v63  }
0xc1: {  	v3 =	vadd.s32 v1, v3  }
0xc2: {  	[tilespmem:s10], [sflag:$0x1] =	stream.indirect_vreg.gather [hbm4b:s4+s2], $0x80, v4, vm0, $0xb8;
	[tilespmem:$0x12100] =	vst v63  }
0xc3: {  	_ = 	snop  }
0xc4: {  	[tilespmem:s11], [sflag:$0x1] =	stream.indirect_vreg.gather [hbm4b:s5+s2], $0x80, v4, vm0, $0xb8;
	[tilespmem:$0x12100] =	vst v63  }
0xc5: {  	_ = 	snop  }
0xc6: {  	[tilespmem:s12], [sflag:$0x1] =	stream.indirect_vreg.gather [hbm4b:s3+s2], $0x80, v3, vm0, $0xb8;
	[tilespmem:$0x12100] =	vst v63  }
0xc7: {  	_ = 	snop  }
0xc8: {  	[tilespmem:s13], [sflag:$0x1] =	stream.indirect_vreg.gather [hbm4b:s4+s2], $0x80, v3, vm0, $0xb8;
	[tilespmem:$0x12100] =	vst v63  }
0xc9: {  	_ = 	snop  }
0xca: {  	[tilespmem:s14], [sflag:$0x1] =	stream.indirect_vreg.gather [hbm4b:s5+s2], $0x80, v3, vm0, $0xb8;
	[tilespmem:$0x12100] =	vst v63  }
0xcb: {  	v3 =	vld [tilespmem:$0xB0];
	_ =	sdelay $0x4  }
0xcc: {  	v61 =	vshrl.u32 v3, $0x3  }
0xcd: {  	v4 =	vmul.u32 $0x30, v61  }
0xce: {  	v3 =	vand.u32 $0x7, v3  }
0xcf: {  	v3 =	vor.u32 v3, v4  }
0xd0: {  	v4 =	vperm.xlane v3, v0;
	_ =	sdelay $0x1  }
0xd1: {  	v4 =	vadd.s32 v1, v4;
	_ =	sdelay $0x3  }
0xd2: {  	v3 =	vperm.xlane v3, v2  }
0xd3: {  	[tilespmem:s15], [sflag:$0x1] =	stream.indirect_vreg.gather [hbm4b:s3+s2], $0x80, v4, vm0, $0xb8;
	[tilespmem:$0x12100] =	vst v63  }
0xd4: {  	v3 =	vadd.s32 v1, v3  }
0xd5: {  	[tilespmem:s16], [sflag:$0x1] =	stream.indirect_vreg.gather [hbm4b:s4+s2], $0x80, v4, vm0, $0xb8;
	[tilespmem:$0x12100] =	vst v63  }
0xd6: {  	_ = 	snop  }
0xd7: {  	[tilespmem:s17], [sflag:$0x1] =	stream.indirect_vreg.gather [hbm4b:s5+s2], $0x80, v4, vm0, $0xb8;
	[tilespmem:$0x12100] =	vst v63  }
0xd8: {  	_ = 	snop  }
0xd9: {  	[tilespmem:s18], [sflag:$0x1] =	stream.indirect_vreg.gather [hbm4b:s3+s2], $0x80, v3, vm0, $0xb8;
	[tilespmem:$0x12100] =	vst v63  }
0xda: {  	_ = 	snop  }
0xdb: {  	[tilespmem:s19], [sflag:$0x1] =	stream.indirect_vreg.gather [hbm4b:s4+s2], $0x80, v3, vm0, $0xb8;
	[tilespmem:$0x12100] =	vst v63  }
0xdc: {  	_ = 	snop  }
0xdd: {  	[tilespmem:s8], [sflag:$0x1] =	stream.indirect_vreg.gather [hbm4b:s5+s2], $0x80, v3, vm0, $0xb8;
	[tilespmem:$0x12100] =	vst v63  }
0xde: {  	v3 =	vld [tilespmem:$0xC0];
	_ =	sdelay $0x4  }
0xdf: {  	v62 =	vshrl.u32 v3, $0x3  }
0xe0: {  	v4 =	vmul.u32 $0x30, v62  }
0xe1: {  	v3 =	vand.u32 $0x7, v3  }
0xe2: {  	v3 =	vor.u32 v3, v4  }
0xe3: {  	v4 =	vperm.xlane v3, v0;
	_ =	sdelay $0x1  }
0xe4: {  	v4 =	vadd.s32 v1, v4;
	_ =	sdelay $0x3  }
0xe5: {  	s21 =	simm.s32 $0xC100;
	v3 =	vperm.xlane v3, v2  }
0xe6: {  	[tilespmem:s21], [sflag:$0x1] =	stream.indirect_vreg.gather [hbm4b:s3+s2], $0x80, v4, vm0, $0xb8;
	[tilespmem:$0x12100] =	vst v63  }
0xe7: {  	v3 =	vadd.s32 v1, v3;
	s21 =	simm.s32 $0xC900  }
0xe8: {  	[tilespmem:s21], [sflag:$0x1] =	stream.indirect_vreg.gather [hbm4b:s4+s2], $0x80, v4, vm0, $0xb8;
	[tilespmem:$0x12100] =	vst v63  }
0xe9: {  	s21 =	simm.s32 $0xD100  }
0xea: {  	[tilespmem:s21], [sflag:$0x1] =	stream.indirect_vreg.gather [hbm4b:s5+s2], $0x80, v4, vm0, $0xb8;
	[tilespmem:$0x12100] =	vst v63  }
0xeb: {  	s21 =	simm.s32 $0xD900  }
0xec: {  	[tilespmem:s21], [sflag:$0x1] =	stream.indirect_vreg.gather [hbm4b:s3+s2], $0x80, v3, vm0, $0xb8;
	[tilespmem:$0x12100] =	vst v63  }
0xed: {  	s21 =	simm.s32 $0xE100  }
0xee: {  	[tilespmem:s21], [sflag:$0x1] =	stream.indirect_vreg.gather [hbm4b:s4+s2], $0x80, v3, vm0, $0xb8;
	[tilespmem:$0x12100] =	vst v63  }
0xef: {  	s21 =	simm.s32 $0xE900  }
0xf0: {  	[tilespmem:s21], [sflag:$0x1] =	stream.indirect_vreg.gather [hbm4b:s5+s2], $0x80, v3, vm0, $0xb8;
	[tilespmem:$0x12100] =	vst v63  }
0xf1: {  	v3 =	vld [tilespmem:$0xD0];
	_ =	sdelay $0x4  }
0xf2: {  	v63 =	vshrl.u32 v3, $0x3  }
0xf3: {  	v4 =	vmul.u32 $0x30, v63  }
0xf4: {  	v3 =	vand.u32 $0x7, v3  }
0xf5: {  	v3 =	vor.u32 v3, v4  }
0xf6: {  	v4 =	vperm.xlane v3, v0;
	_ =	sdelay $0x1  }
0xf7: {  	v4 =	vadd.s32 v1, v4;
	_ =	sdelay $0x3  }
0xf8: {  	s21 =	simm.s32 $0xF100;
	v3 =	vperm.xlane v3, v2  }
0xf9: {  	[tilespmem:s21], [sflag:$0x1] =	stream.indirect_vreg.gather [hbm4b:s3+s2], $0x80, v4, vm0, $0xb8;
	[tilespmem:$0x12100] =	vst v63  }
0xfa: {  	v3 =	vadd.s32 v1, v3;
	s21 =	simm.s32 $0xF900  }
0xfb: {  	[tilespmem:s21], [sflag:$0x1] =	stream.indirect_vreg.gather [hbm4b:s4+s2], $0x80, v4, vm0, $0xb8;
	[tilespmem:$0x12100] =	vst v63  }
0xfc: {  	s21 =	simm.s32 $0x10100  }
0xfd: {  	[tilespmem:s21], [sflag:$0x1] =	stream.indirect_vreg.gather [hbm4b:s5+s2], $0x80, v4, vm0, $0xb8;
	[tilespmem:$0x12100] =	vst v63  }
0xfe: {  	s21 =	simm.s32 $0x10900  }
0xff: {  	[tilespmem:s21], [sflag:$0x1] =	stream.indirect_vreg.gather [hbm4b:s3+s2], $0x80, v3, vm0, $0xb8;
	[tilespmem:$0x12100] =	vst v63  }
0x100: {  	s21 =	simm.s32 $0x11100  }
0x101: {  	[tilespmem:s21], [sflag:$0x1] =	stream.indirect_vreg.gather [hbm4b:s4+s2], $0x80, v3, vm0, $0xb8;
	[tilespmem:$0x12100] =	vst v63  }
0x102: {  	s21 =	simm.s32 $0x11900  }
0x103: {  	[tilespmem:s21], [sflag:$0x1] =	stream.indirect_vreg.gather [hbm4b:s5+s2], $0x80, v3, vm0, $0xb8;
	[tilespmem:$0x12100] =	vst v63  }
0x104: {  	_ =	swait.ge [sflag:s20], $0x12000  }
0x105: {  	p0 =	sne.s32 s6, $0x1;
	s0 =	simm.s32 $0x100;
	[sflag:s20] =	ssyncset.done $0x0  }
.Ltmp0:
0x106: {  	s21 =	rddreg [dreg:$0x4];
	[sflag:s20] =	ssyncadd.s32 $0xFFFEE000;
	(pc) =	sbr.rel @p0 .LBB2_1-.Ltmp0, $4  }
0x107: {  	[hbm4b:s21+s2] =	stream.linear.scatter [tilespmem:s0], [sflag:$0x2], $0x12000, $0x38;
	[tilespmem:$0x12100] =	vst v63  }
0x108: {  	_ =	swait.ge [sflag:s7], $0x12000  }
0x109: {  	[sflag:s7] =	ssyncset.done $0x0  }
0x10a: {  	s6 =	sadd.s32 $0xFFFFFFFF, s6;
	[sflag:s7] =	ssyncadd.s32 $0xFFFEE000  }
0x10b: {  	_ =	sfence.sel $0x180000  }
0x10c: {  	[bflag:$0x0] =	sbarrier.arrive $0xFFFF  }
0x10d: {  	_ =	strace $0x9000004A  }
0x10e: {  	s0 =	stileid.u32;
	[bflag:$0x2] =	sbarrier.arrive $0xFFFF  }
0x10f: {  	p0 =	sne.s32 s0, $0x0;
	s0 =	rddreg [dreg:$0x1]  }
0x110: {  	s0 =	sadd.s32 @!p0 $0x100000, s0  }
0x111: {  	[sflag:s0] =	ssyncadd.tile.s32 @!p0 $0x1;
	_ =	shalt  }
.Lfunc_end2:
_tile_overlayer_lowered:
.L_overlay_start_2:
0x112: {  	(tag) =	ssettag $0x2  }
0x113: {  	s0 =	rddreg [dreg:$0x0];
	s2 =	stileid.u32  }
0x114: {  	s1 =	rddreg [dreg:$0x1];
	p0 =	sne.s32 s2, $0x0  }
0x115: {  	s3 =	rddreg [dreg:$0x2];
	[bflag:$0x3] =	sbarrier.arrive $0xFFFF;
	s2 =	simm.s32 @!p0 $0x1C02  }
0x116: {  	[timem:s3], [sflag:s2] =	dma.local @!p0 [hbm:s0], s1  }
0x117: {  	s0 =	simm.s32 @!p0 $0x2  }
0x118: {  	_ =	swait.ge @!p0 [sflag:s0], s1  }
0x119: {  	s1 =	ssub.s32 @!p0 $0x0, s1;
	[sflag:s0] =	ssyncset.done @!p0 $0x0  }
0x11a: {  	[sflag:s0] =	ssyncadd.s32 @!p0 s1  }
0x11b: {  	[bflag:$0x3] =	sbarrier.arrive $0xFFFF  }
0x11c: {  	_ =	shalt  }

// kernel: kernel.9.cloned.1.call-start
scs
__scs_entry_jumppad:
0x0: {  	(pc) =	sbr.rel $0x88, $3  }
0x1: {  	(tag) =	ssettag $0x0;
	lr =	simm.s32 $0x1  }
0x2: {  	[smem:$0x3F8E] =	sst lr;
	_ =	strace $0xD0000000  }
0x3: {  	_ = 	snop  }
0x4: {  	_ = 	snop  }
0x5: {  	_ = 	snop  }
0x6: {  	_ = 	snop  }
0x7: {  	_ = 	snop  }
__scs_overlays_trampoline_lowered:
0x8: {  	[smem:$0x3F9D] =	sst s0  }
0x9: {  	[smem:$0x3F9E] =	sst s1  }
0xa: {  	[smem:$0x3F9F] =	sst s2  }
0xb: {  	[smem:$0x3FA0] =	sst s3  }
0xc: {  	[smem:$0x3FA1] =	sst s4  }
0xd: {  	[smem:$0x3FA2] =	sst s5  }
0xe: {  	[smem:$0x3FA3] =	sst s6  }
0xf: {  	[smem:$0x3FA4] =	sst s7  }
0x10: {  	[smem:$0x3FA5] =	sst s8  }
0x11: {  	[smem:$0x3FA6] =	sst s9;
	s0 =	simm.s32 @!p0 $0x0  }
0x12: {  	s1 =	sld [smem:$0x3F8C];
	s0 =	simm.s32 @p0 $0x1  }
0x13: {  	[smem:$0x3FA7] =	sst s0;
	s0 =	simm.s32 @!p1 $0x0  }
0x14: {  	s2 =	sld [smem:$0x3F8B];
	s0 =	simm.s32 @p1 $0x1  }
0x15: {  	[smem:$0x3FA8] =	sst s0;
	s0 =	simm.s32 @!p2 $0x0  }
0x16: {  	s3 =	sld [smem:$0x3FDB];
	s0 =	simm.s32 @p2 $0x1  }
0x17: {  	s4 =	simm.s32 $0x1BF5;
	[smem:$0x3FAA] =	sst s0  }
0x18: {  	s0 =	sld [smem:$0x3F8D];
	_ =	swait.ge [sflag:s4], $0x0  }
0x19: {  	s7 =	sld [smem:$0x3F8E]  }
0x1a: {  	s8 =	sadd.s32 $0xFFFFE003, lr  }
0x1b: {  	s9 =	sadd.s32 $0xFFFFFEF7, lr;
	s5 =	simm.s32 $0xFFFFFFFF;
	p2 =	slt.u32 s8, $0xFFFFF086  }
0x1c: {  	p1 =	slt.u32 s9, $0xF7A;
	s5 =	simm.s32 @!p2 $0x0  }
0x1d: {  	s5 =	simm.s32 @p1 $0x1;
	p0 =	seq.s32 s7, s2  }
0x1e: {  	s7 =	smul.u32 @!p0 $0xF7A, s2;
	p2 =	seq.s32 @!p0 s5, $0x0  }
0x1f: {  	s9 =	smul.u32 $0xF7A, s1;
	s8 =	simm.s32 @!p0 $0x1BF5;
	p2 =	por !p2, p0  }
0x20: {  	[sflag:s8] =	ssyncset.s32 @!p0 $0xFFFFF086;
	s6 =	sadd.s32 @!p0 s3, s7;
	s7 =	simm.s32 @!p0 $0x108  }
0x21: {  	s3 =	sadd.s32 s3, s9;
	s6 =	sadd.s32 @!p0 $0x88, s6;
	s7 =	simm.s32 @p2 $0x1082  }
0x22: {  	[simem:s7], [sflag:s8] =	dma.local @!p0 [hbm:s6], $0xF7A  }
0x23: {  	s9 =	sor.u32 $0xD0000000, s2;
	s6 =	simm.s32 $0x108;
	_ =	swait.ge @!p0 [sflag:s8], $0x0  }
0x24: {  	s3 =	sadd.s32 $0x88, s3;
	s6 =	simm.s32 @!p1 $0x1082;
	[sflag:s4] =	ssyncset.s32 $0xFFFFF086  }
0x25: {  	[simem:s6], [sflag:s4] =	dma.local [hbm:s3], $0xF7A  }
0x26: {  	[smem:$0x3F8E] =	sst s1;
	(tag) =	ssettag s2;
	_ =	strace s9  }
0x27: {  	s1 =	sld [smem:$0x3F9E]  }
0x28: {  	s2 =	sld [smem:$0x3F9F]  }
0x29: {  	s4 =	sld [smem:$0x3FA1]  }
0x2a: {  	p0 =	seq.s32 s5, $0x0;
	s5 =	sld [smem:$0x3FA2]  }
0x2b: {  	s6 =	sld [smem:$0x3FA3]  }
0x2c: {  	s7 =	sld [smem:$0x3FA4]  }
0x2d: {  	s3 =	simm.s32 $0x108;
	s8 =	sld [smem:$0x3FA5]  }
0x2e: {  	s3 =	simm.s32 @!p0 $0x1082;
	s9 =	sld [smem:$0x3FA6]  }
0x2f: {  	lr =	sadd.s32 s0, s3;
	s0 =	sld [smem:$0x3F9D]  }
0x30: {  	s3 =	sld [smem:$0x3FA0]  }
0x31: {  	[smem:$0x3FA9] =	sst s10  }
0x32: {  	s10 =	sld [smem:$0x3FA7];
	_ =	sdelay $0x3  }
0x33: {  	p0 =	seq.s32 s10, $0x1;
	s10 =	sld [smem:$0x3FA9];
	_ =	sdelay $0x3  }
0x34: {  	[smem:$0x3FA9] =	sst s10  }
0x35: {  	s10 =	sld [smem:$0x3FA8];
	_ =	sdelay $0x3  }
0x36: {  	p1 =	seq.s32 s10, $0x1;
	s10 =	sld [smem:$0x3FA9];
	_ =	sdelay $0x3  }
0x37: {  	[smem:$0x3FA9] =	sst s10  }
0x38: {  	s10 =	sld [smem:$0x3FAA]  }
0x39: {  	_ = 	snop;
	(pc) =	sbr.ind lr, $3  }
0x3a: {  	_ = 	snop  }
0x3b: {  	_ = 	snop  }
0x3c: {  	p2 =	seq.s32 s10, $0x1;
	s10 =	sld [smem:$0x3FA9]  }
0x3d: {  	_ =	shalt  }
0x3e: {  	_ =	shalt  }
0x3f: {  	_ =	shalt  }
0x40: {  	_ =	shalt  }
0x41: {  	_ =	shalt  }
0x42: {  	_ =	shalt  }
0x43: {  	_ =	shalt  }
0x44: {  	_ =	shalt  }
0x45: {  	_ =	shalt  }
0x46: {  	_ =	shalt  }
0x47: {  	_ =	shalt  }
0x48: {  	_ =	shalt  }
0x49: {  	_ =	shalt  }
0x4a: {  	_ =	shalt  }
0x4b: {  	_ =	shalt  }
0x4c: {  	_ =	shalt  }
0x4d: {  	_ =	shalt  }
0x4e: {  	_ =	shalt  }
0x4f: {  	_ =	shalt  }
0x50: {  	_ =	shalt  }
0x51: {  	_ =	shalt  }
0x52: {  	_ =	shalt  }
0x53: {  	_ =	shalt  }
0x54: {  	_ =	shalt  }
0x55: {  	_ =	shalt  }
0x56: {  	_ =	shalt  }
0x57: {  	_ =	shalt  }
0x58: {  	_ =	shalt  }
0x59: {  	_ =	shalt  }
0x5a: {  	_ =	shalt  }
0x5b: {  	_ =	shalt  }
0x5c: {  	_ =	shalt  }
0x5d: {  	_ =	shalt  }
0x5e: {  	_ =	shalt  }
0x5f: {  	_ =	shalt  }
0x60: {  	_ =	shalt  }
0x61: {  	_ =	shalt  }
0x62: {  	_ =	shalt  }
0x63: {  	_ =	shalt  }
0x64: {  	_ =	shalt  }
0x65: {  	_ =	shalt  }
0x66: {  	_ =	shalt  }
0x67: {  	_ =	shalt  }
0x68: {  	_ =	shalt  }
0x69: {  	_ =	shalt  }
0x6a: {  	_ =	shalt  }
0x6b: {  	_ =	shalt  }
0x6c: {  	_ =	shalt  }
0x6d: {  	_ =	shalt  }
0x6e: {  	_ =	shalt  }
0x6f: {  	_ =	shalt  }
0x70: {  	_ =	shalt  }
0x71: {  	_ =	shalt  }
0x72: {  	_ =	shalt  }
0x73: {  	_ =	shalt  }
0x74: {  	_ =	shalt  }
0x75: {  	_ =	shalt  }
0x76: {  	_ =	shalt  }
0x77: {  	_ =	shalt  }
0x78: {  	_ =	shalt  }
0x79: {  	_ =	shalt  }
0x7a: {  	_ =	shalt  }
0x7b: {  	_ =	shalt  }
0x7c: {  	_ =	shalt  }
0x7d: {  	_ =	shalt  }
0x7e: {  	_ =	shalt  }
0x7f: {  	_ =	shalt  }
0x80: {  	_ =	shalt  }
0x81: {  	_ =	shalt  }
0x82: {  	_ =	shalt  }
0x83: {  	_ =	shalt  }
0x84: {  	_ =	shalt  }
0x85: {  	_ =	shalt  }
0x86: {  	_ =	shalt  }
0x87: {  	_ =	shalt  }
.Lfunc_end0:
.L_simem_size_0:
called_computation_lowered:
.L_overlay_start_0:
0x88: {  	s2 =	sld [smem:$0x3FD9]  }
0x89: {  	s3 =	sld [smem:$0x3FFE];
	_ =	sdelay $0x1  }
0x8a: {  	s1 =	srdreg.scid  }
0x8b: {  	s0 =	sand.u32 $0x1, s1  }
0x8c: {  	s16 =	sshll.u32 s0, $0xA;
	s2 =	sadd.s32 s3, s2  }
0x8d: {  	s2 =	sadd.s32 s2, s16  }
0x8e: {  	[smem:$0x3FB5] =	sst s2  }
0x8f: {  	_ = 	snop  }
0x90: {  	(tm) =	ssettm $0x1  }
0x91: {  	s17 =	sld [smem:$0x3FFB];
	_ =	sdelay $0x3  }
0x92: {  	_ =	strace s17  }
0x93: {  	s2 =	sld [smem:$0x3FFC];
	_ =	sdelay $0x3  }
0x94: {  	_ =	strace s2  }
0x95: {  	s2 =	sld [smem:$0x3FFD];
	_ =	sdelay $0x3  }
0x96: {  	_ =	strace s2  }
0x97: {  	_ =	strace $0x8FFFFFFF  }
0x98: {  	s18 =	sld [smem:$0x3FDB];
	_ =	sdelay $0x1  }
0x99: {  	s19 =	simm.s32 $_scs_section_size  }
0x9a: {  	s4 =	simm.s32 $_size__tile_overlayer_lowered;
	s5 =	simm.s32 $_tile_overlayer_lowered  }
0x9b: {  	s22 =	simm.s32 $0x1BFF;
	s21 =	sshll.u32 s5, $0x1;
	s2 =	sadd.s32 s19, s18  }
0x9c: {  	s6 =	simm.s32 $0x0;
	s20 =	sshll.u32 s4, $0x1;
	s4 =	sadd.s32 s21, s2  }
0x9d: {  	[timem:s6], [sflag:s22] =	dma.local [hbm:s4], s20  }
0x9e: {  	_ =	swait.ge [sflag:s22], s20  }
0x9f: {  	s3 =	ssub.s32 $0x0, s20;
	[sflag:s22] =	ssyncset.done $0x0  }
0xa0: {  	[sflag:s22] =	ssyncadd.s32 s3;
	_ =	sdelay $0x1  }
0xa1: {  	s23 =	simm.s32 $0x1B8B  }
0xa2: {  	_ =	swait.ge [sflag:s23], $0x1  }
0xa3: {  	[sflag:s23] =	ssyncset.done $0x0  }
0xa4: {  	s25 =	simm.s32 $0x1B8E;
	s24 =	sld [smem:$0x3FFE];
	[sflag:s23] =	ssyncadd.s32 $0xFFFFFFFF  }
0xa5: {  	s26 =	simm.s32 $execute0_lowered;
	[smem:$0x3FD2] =	sst s25  }
0xa6: {  	s4 =	sshll.u32 s26, $0x1;
	_ =	strace $0x80000046;
	[dreg:$0x1] =	wrdreg $0xFFFFFFFF  }
0xa7: {  	s28 =	simm.s32 $_size_execute0_lowered;
	s2 =	sadd.s32 s2, s4;
	[dreg:$0x0] =	wrdreg $0x0  }
0xa8: {  	s4 =	sshll.u32 s28, $0x1;
	[dreg:$0x2] =	wrdreg s2  }
0xa9: {  	[dreg:$0x3] =	wrdreg s4  }
0xaa: {  	[dreg:$0x4] =	wrdreg $0xC0  }
0xab: {  	_ =	task [dreg:s6], $0x5FFFF  }
0xac: {  	[dreg:$0x1] =	wrdreg $0xFFFFFFFF  }
0xad: {  	[dreg:$0x0] =	wrdreg $0x60  }
0xae: {  	[dreg:$0x2] =	wrdreg s24  }
0xaf: {  	[dreg:$0x3] =	wrdreg $0x9  }
0xb0: {  	_ =	task.clear_ibuf [dreg:s6], $0x4FFFF;
	_ =	strace $0x90000046  }
0xb1: {  	s29 =	simm.s32 $0x9;
	_ =	strace $0x80000048  }
0xb2: {  	_ =	swait.ge [sflag:s29], $0x1  }
0xb3: {  	[sflag:s29] =	ssyncadd.s32 $0xFFFFFFFF  }
0xb4: {  	_ =	strace $0x90000048  }
0xb5: {  	_ =	sfence  }
0xb6: {  	s30 =	sld [smem:$0x0];
	_ =	sdelay $0x2  }
0xb7: {  	s31 =	sshll.u32 s1, $0xD;
	s1 =	sshrl.u32 s1, $0x2  }
0xb8: {  	s3 =	sand.u32 $0x4000, s31;
	s1 =	sadd.s32 s1, s30  }
0xb9: {  	s0 =	sor.u32 s3, s0;
	s1 =	sshll.u32 s1, $0x11  }
0xba: {  	s0 =	sor.u32 s1, s0  }
0xbb: {  	s0 =	sadd.s32 $0x8F2B, s0  }
0xbc: {  	[sflag:s0] =	ssyncadd.remote.s32 $0x1  }
0xbd: {  	_ =	sfence.sel $0xFFFF  }
0xbe: {  	[dreg:$0x0] =	wrdreg $0xFFFFFFFF;
	(pc) =	sbr.abs _section_cstart, $3  }
0xbf: {  	[dreg:$0x1] =	wrdreg $0xFFFFFFFF  }
0xc0: {  	_ =	task.clear_ibuf [dreg:s6], $0x2FFFF;
	_ =	strace $0x9FFFFFFF  }
0xc1: {  	(tm) =	ssettm $0x7FFFFFFF  }
tec
execute0_lowered:
.L_overlay_start_1:
0x0: {  	(tag) =	ssettag $0x1  }
0x1: {  	s0 =	rddreg [dreg:$0x0]  }
0x2: {  	s1 =	srdreg.scid;
	s3 =	stileid.u32;
	s2 =	simm.s32 $0x0  }
0x3: {  	s31 =	simm.s32 $0x100;
	s25 =	simm.s32 $0x1;
	s1 =	sand.u32 $0x1, s1  }
0x4: {  	s3 =	sshll.u32 s3, $0x6;
	[smem:$0x7FF] =	sst s2;
	s7 =	sadd.s32 $0x3B100, s0  }
0x5: {  	s8 =	sadd.s32 $0x3B200, s0;
	s4 =	sshll.u32 s1, $0x5;
	_ =	strace $0x80000047  }
0x6: {  	s1 =	ssub.s32 $0x2, s1;
	[dreg:$0x4] =	wrdreg s31;
	s3 =	sor.u32 s4, s3  }
0x7: {  	s6 =	sshrl.u32 s1, $0x1;
	s4 =	sadd.s32 s3, s0;
	s3 =	sadd.s32 $0x2C00, s0  }
0x8: {  	v2 =	vlaneseq.u32;
	s1 =	ssub.s32 s1, s6;
	s6 =	sadd.s32 $0x2E00, s0;
	s5 =	sadd.s32 $0x2600, s4  }
0x9: {  	vm0 =	vmmov $0xffff;
	v1 =	vshrl.u32 v2, $0x3;
	s30 =	sadd.s32 $0x3AC00, s4;
	s4 =	sadd.s32 $0x3B000, s0;
	[dreg:$0x2] =	wrdreg s5  }
0xa: {  	v0 =	vand.u32 $0x7, v2;
	v2 =	vor.u32 $0x8, v2;
	v1 =	vmul.u32 $0x8, v1;
	s9 =	smax.u32 s1, $0x1;
	[dreg:$0x3] =	wrdreg s30;
	s5 =	sadd.s32 $0x2D00, s0  }
.LBB2_1:
0xb: {  	s26 =	rddreg [dreg:$0x2];
	s0 =	simm.s32 $0x2  }
0xc: {  	[tilespmem:s2], [sflag:$0x2] =	stream.linear.gather [hbm4b:s26+s2], $0x100, $0x38;
	[tilespmem:$0x12200] =	vst v63  }
0xd: {  	_ =	swait.ge [sflag:s0], $0x100  }
0xe: {  	s1 =	rddreg [dreg:$0x3];
	[sflag:s0] =	ssyncset.done $0x0  }
0xf: {  	s28 =	rddreg [dreg:$0x4];
	[sflag:s0] =	ssyncadd.s32 $0xFFFFFF00  }
0x10: {  	[tilespmem:s28], [sflag:$0x2] =	stream.linear.gather [hbm4b:s1+s2], $0x100, $0x38;
	[tilespmem:$0x12200] =	vst v63  }
0x11: {  	_ =	swait.ge [sflag:s0], $0x100  }
0x12: {  	[sflag:s0] =	ssyncset.done $0x0  }
0x13: {  	[sflag:s0] =	ssyncadd.s32 $0xFFFFFF00  }
0x14: {  	v3 =	vld [tilespmem:$0x0];
	_ =	sdelay $0x4  }
0x15: {  	v4 =	vshrl.u32 v3, $0x3  }
0x16: {  	v4 =	vmul.u32 $0x30, v4  }
0x17: {  	v3 =	vand.u32 $0x7, v3  }
0x18: {  	v3 =	vor.u32 v3, v4  }
0x19: {  	v4 =	vperm.xlane v3, v0;
	_ =	sdelay $0x1  }
0x1a: {  	v4 =	vadd.s32 v1, v4;
	_ =	sdelay $0x3  }
0x1b: {  	s10 =	simm.s32 $0x200;
	v3 =	vperm.xlane v3, v2  }
0x1c: {  	[tilespmem:s10], [sflag:$0x1] =	stream.indirect_vreg.gather [hbm4b:s3+s2], $0x80, v4, vm0, $0xb8;
	[tilespmem:$0x12200] =	vst v63  }
0x1d: {  	s11 =	simm.s32 $0xA00;
	v3 =	vadd.s32 v1, v3  }
0x1e: {  	[tilespmem:s11], [sflag:$0x1] =	stream.indirect_vreg.gather [hbm4b:s5+s2], $0x80, v4, vm0, $0xb8;
	[tilespmem:$0x12200] =	vst v63  }
0x1f: {  	s12 =	simm.s32 $0x1200  }
0x20: {  	[tilespmem:s12], [sflag:$0x1] =	stream.indirect_vreg.gather [hbm4b:s6+s2], $0x80, v4, vm0, $0xb8;
	[tilespmem:$0x12200] =	vst v63  }
0x21: {  	s13 =	simm.s32 $0x1A00  }
0x22: {  	[tilespmem:s13], [sflag:$0x1] =	stream.indirect_vreg.gather [hbm4b:s3+s2], $0x80, v3, vm0, $0xb8;
	[tilespmem:$0x12200] =	vst v63  }
0x23: {  	s14 =	simm.s32 $0x2200  }
0x24: {  	[tilespmem:s14], [sflag:$0x1] =	stream.indirect_vreg.gather [hbm4b:s5+s2], $0x80, v3, vm0, $0xb8;
	[tilespmem:$0x12200] =	vst v63  }
0x25: {  	s16 =	simm.s32 $0x2A00  }
0x26: {  	[tilespmem:s16], [sflag:$0x1] =	stream.indirect_vreg.gather [hbm4b:s6+s2], $0x80, v3, vm0, $0xb8;
	[tilespmem:$0x12200] =	vst v63  }
0x27: {  	v3 =	vld [tilespmem:$0x10];
	_ =	sdelay $0x4  }
0x28: {  	v41 =	vshrl.u32 v3, $0x3  }
0x29: {  	v4 =	vmul.u32 $0x30, v41  }
0x2a: {  	v3 =	vand.u32 $0x7, v3  }
0x2b: {  	v3 =	vor.u32 v3, v4  }
0x2c: {  	v4 =	vperm.xlane v3, v0;
	_ =	sdelay $0x1  }
0x2d: {  	v4 =	vadd.s32 v1, v4;
	_ =	sdelay $0x3  }
0x2e: {  	s17 =	simm.s32 $0x3200;
	v3 =	vperm.xlane v3, v2  }
0x2f: {  	[tilespmem:s17], [sflag:$0x1] =	stream.indirect_vreg.gather [hbm4b:s3+s2], $0x80, v4, vm0, $0xb8;
	[tilespmem:$0x12200] =	vst v63  }
0x30: {  	s18 =	simm.s32 $0x3A00;
	v3 =	vadd.s32 v1, v3  }
0x31: {  	[tilespmem:s18], [sflag:$0x1] =	stream.indirect_vreg.gather [hbm4b:s5+s2], $0x80, v4, vm0, $0xb8;
	[tilespmem:$0x12200] =	vst v63  }
0x32: {  	s19 =	simm.s32 $0x4200  }
0x33: {  	[tilespmem:s19], [sflag:$0x1] =	stream.indirect_vreg.gather [hbm4b:s6+s2], $0x80, v4, vm0, $0xb8;
	[tilespmem:$0x12200] =	vst v63  }
0x34: {  	s21 =	simm.s32 $0x4A00  }
0x35: {  	[tilespmem:s21], [sflag:$0x1] =	stream.indirect_vreg.gather [hbm4b:s3+s2], $0x80, v3, vm0, $0xb8;
	[tilespmem:$0x12200] =	vst v63  }
0x36: {  	s22 =	simm.s32 $0x5200  }
0x37: {  	[tilespmem:s22], [sflag:$0x1] =	stream.indirect_vreg.gather [hbm4b:s5+s2], $0x80, v3, vm0, $0xb8;
	[tilespmem:$0x12200] =	vst v63  }
0x38: {  	s23 =	simm.s32 $0x5A00  }
0x39: {  	[tilespmem:s23], [sflag:$0x1] =	stream.indirect_vreg.gather [hbm4b:s6+s2], $0x80, v3, vm0, $0xb8;
	[tilespmem:$0x12200] =	vst v63  }
0x3a: {  	v3 =	vld [tilespmem:$0x20];
	_ =	sdelay $0x4  }
0x3b: {  	v42 =	vshrl.u32 v3, $0x3  }
0x3c: {  	v4 =	vmul.u32 $0x30, v42  }
0x3d: {  	v3 =	vand.u32 $0x7, v3  }
0x3e: {  	v3 =	vor.u32 v3, v4  }
0x3f: {  	v4 =	vperm.xlane v3, v0;
	_ =	sdelay $0x1  }
0x40: {  	v4 =	vadd.s32 v1, v4;
	_ =	sdelay $0x3  }
0x41: {  	s26 =	simm.s32 $0x6200;
	v3 =	vperm.xlane v3, v2  }
0x42: {  	[tilespmem:s26], [sflag:$0x1] =	stream.indirect_vreg.gather [hbm4b:s3+s2], $0x80, v4, vm0, $0xb8;
	[tilespmem:$0x12200] =	vst v63  }
0x43: {  	s28 =	simm.s32 $0x6A00;
	v3 =	vadd.s32 v1, v3  }
0x44: {  	[tilespmem:s28], [sflag:$0x1] =	stream.indirect_vreg.gather [hbm4b:s5+s2], $0x80, v4, vm0, $0xb8;
	[tilespmem:$0x12200] =	vst v63  }
0x45: {  	s30 =	simm.s32 $0x7200  }
0x46: {  	[tilespmem:s30], [sflag:$0x1] =	stream.indirect_vreg.gather [hbm4b:s6+s2], $0x80, v4, vm0, $0xb8;
	[tilespmem:$0x12200] =	vst v63  }
0x47: {  	s31 =	simm.s32 $0x7A00  }
0x48: {  	[tilespmem:s31], [sflag:$0x1] =	stream.indirect_vreg.gather [hbm4b:s3+s2], $0x80, v3, vm0, $0xb8;
	[tilespmem:$0x12200] =	vst v63  }
0x49: {  	s10 =	simm.s32 $0x8200  }
0x4a: {  	[tilespmem:s10], [sflag:$0x1] =	stream.indirect_vreg.gather [hbm4b:s5+s2], $0x80, v3, vm0, $0xb8;
	[tilespmem:$0x12200] =	vst v63  }
0x4b: {  	s11 =	simm.s32 $0x8A00  }
0x4c: {  	[tilespmem:s11], [sflag:$0x1] =	stream.indirect_vreg.gather [hbm4b:s6+s2], $0x80, v3, vm0, $0xb8;
	[tilespmem:$0x12200] =	vst v63  }
0x4d: {  	v3 =	vld [tilespmem:$0x30];
	_ =	sdelay $0x4  }
0x4e: {  	v43 =	vshrl.u32 v3, $0x3  }
0x4f: {  	v4 =	vmul.u32 $0x30, v43  }
0x50: {  	v3 =	vand.u32 $0x7, v3  }
0x51: {  	v3 =	vor.u32 v3, v4  }
0x52: {  	v4 =	vperm.xlane v3, v0;
	_ =	sdelay $0x1  }
0x53: {  	v4 =	vadd.s32 v1, v4;
	_ =	sdelay $0x3  }
0x54: {  	s12 =	simm.s32 $0x9200;
	v3 =	vperm.xlane v3, v2  }
0x55: {  	[tilespmem:s12], [sflag:$0x1] =	stream.indirect_vreg.gather [hbm4b:s3+s2], $0x80, v4, vm0, $0xb8;
	[tilespmem:$0x12200] =	vst v63  }
0x56: {  	s26 =	simm.s32 $0x9A00;
	v3 =	vadd.s32 v1, v3  }
0x57: {  	[tilespmem:s26], [sflag:$0x1] =	stream.indirect_vreg.gather [hbm4b:s5+s2], $0x80, v4, vm0, $0xb8;
	[tilespmem:$0x12200] =	vst v63  }
0x58: {  	s28 =	simm.s32 $0xA200  }
0x59: {  	[tilespmem:s28], [sflag:$0x1] =	stream.indirect_vreg.gather [hbm4b:s6+s2], $0x80, v4, vm0, $0xb8;
	[tilespmem:$0x12200] =	vst v63  }
0x5a: {  	s30 =	simm.s32 $0xAA00  }
0x5b: {  	[tilespmem:s30], [sflag:$0x1] =	stream.indirect_vreg.gather [hbm4b:s3+s2], $0x80, v3, vm0, $0xb8;
	[tilespmem:$0x12200] =	vst v63  }
0x5c: {  	s31 =	simm.s32 $0xB200  }
0x5d: {  	[tilespmem:s31], [sflag:$0x1] =	stream.indirect_vreg.gather [hbm4b:s5+s2], $0x80, v3, vm0, $0xb8;
	[tilespmem:$0x12200] =	vst v63  }
0x5e: {  	s10 =	simm.s32 $0xBA00  }
0x5f: {  	[tilespmem:s10], [sflag:$0x1] =	stream.indirect_vreg.gather [hbm4b:s6+s2], $0x80, v3, vm0, $0xb8;
	[tilespmem:$0x12200] =	vst v63  }
0x60: {  	v3 =	vld [tilespmem:$0x40];
	_ =	sdelay $0x4  }
0x61: {  	v44 =	vshrl.u32 v3, $0x3  }
0x62: {  	v4 =	vmul.u32 $0x30, v44  }
0x63: {  	v3 =	vand.u32 $0x7, v3  }
0x64: {  	v3 =	vor.u32 v3, v4  }
0x65: {  	v4 =	vperm.xlane v3, v0;
	_ =	sdelay $0x1  }
0x66: {  	v4 =	vadd.s32 v1, v4;
	_ =	sdelay $0x3  }
0x67: {  	s11 =	simm.s32 $0xC200;
	v3 =	vperm.xlane v3, v2  }
0x68: {  	[tilespmem:s11], [sflag:$0x1] =	stream.indirect_vreg.gather [hbm4b:s3+s2], $0x80, v4, vm0, $0xb8;
	[tilespmem:$0x12200] =	vst v63  }
0x69: {  	s12 =	simm.s32 $0xCA00;
	v3 =	vadd.s32 v1, v3  }
0x6a: {  	[tilespmem:s12], [sflag:$0x1] =	stream.indirect_vreg.gather [hbm4b:s5+s2], $0x80, v4, vm0, $0xb8;
	[tilespmem:$0x12200] =	vst v63  }
0x6b: {  	s26 =	simm.s32 $0xD200  }
0x6c: {  	[tilespmem:s26], [sflag:$0x1] =	stream.indirect_vreg.gather [hbm4b:s6+s2], $0x80, v4, vm0, $0xb8;
	[tilespmem:$0x12200] =	vst v63  }
0x6d: {  	s28 =	simm.s32 $0xDA00  }
0x6e: {  	[tilespmem:s28], [sflag:$0x1] =	stream.indirect_vreg.gather [hbm4b:s3+s2], $0x80, v3, vm0, $0xb8;
	[tilespmem:$0x12200] =	vst v63  }
0x6f: {  	s30 =	simm.s32 $0xE200  }
0x70: {  	[tilespmem:s30], [sflag:$0x1] =	stream.indirect_vreg.gather [hbm4b:s5+s2], $0x80, v3, vm0, $0xb8;
	[tilespmem:$0x12200] =	vst v63  }
0x71: {  	s31 =	simm.s32 $0xEA00  }
0x72: {  	[tilespmem:s31], [sflag:$0x1] =	stream.indirect_vreg.gather [hbm4b:s6+s2], $0x80, v3, vm0, $0xb8;
	[tilespmem:$0x12200] =	vst v63  }
0x73: {  	v3 =	vld [tilespmem:$0x50];
	_ =	sdelay $0x4  }
0x74: {  	v45 =	vshrl.u32 v3, $0x3  }
0x75: {  	v4 =	vmul.u32 $0x30, v45  }
0x76: {  	v3 =	vand.u32 $0x7, v3  }
0x77: {  	v3 =	vor.u32 v3, v4  }
0x78: {  	v4 =	vperm.xlane v3, v0;
	_ =	sdelay $0x1  }
0x79: {  	v4 =	vadd.s32 v1, v4;
	_ =	sdelay $0x3  }
0x7a: {  	s11 =	simm.s32 $0xF200;
	v3 =	vperm.xlane v3, v2  }
0x7b: {  	[tilespmem:s11], [sflag:$0x1] =	stream.indirect_vreg.gather [hbm4b:s3+s2], $0x80, v4, vm0, $0xb8;
	[tilespmem:$0x12200] =	vst v63  }
0x7c: {  	s12 =	simm.s32 $0xFA00;
	v3 =	vadd.s32 v1, v3  }
0x7d: {  	[tilespmem:s12], [sflag:$0x1] =	stream.indirect_vreg.gather [hbm4b:s5+s2], $0x80, v4, vm0, $0xb8;
	[tilespmem:$0x12200] =	vst v63  }
0x7e: {  	s26 =	simm.s32 $0x10200  }
0x7f: {  	[tilespmem:s26], [sflag:$0x1] =	stream.indirect_vreg.gather [hbm4b:s6+s2], $0x80, v4, vm0, $0xb8;
	[tilespmem:$0x12200] =	vst v63  }
0x80: {  	s28 =	simm.s32 $0x10A00  }
0x81: {  	[tilespmem:s28], [sflag:$0x1] =	stream.indirect_vreg.gather [hbm4b:s3+s2], $0x80, v3, vm0, $0xb8;
	[tilespmem:$0x12200] =	vst v63  }
0x82: {  	s30 =	simm.s32 $0x11200  }
0x83: {  	[tilespmem:s30], [sflag:$0x1] =	stream.indirect_vreg.gather [hbm4b:s5+s2], $0x80, v3, vm0, $0xb8;
	[tilespmem:$0x12200] =	vst v63  }
0x84: {  	s31 =	simm.s32 $0x11A00  }
0x85: {  	[tilespmem:s31], [sflag:$0x1] =	stream.indirect_vreg.gather [hbm4b:s6+s2], $0x80, v3, vm0, $0xb8;
	[tilespmem:$0x12200] =	vst v63  }
0x86: {  	_ =	swait.ge [sflag:s25], $0x12000  }
0x87: {  	[sflag:s25] =	ssyncset.done $0x0  }
0x88: {  	[sflag:s25] =	ssyncadd.s32 $0xFFFEE000  }
0x89: {  	v3 =	vld [tilespmem:$0x100];
	_ =	sdelay $0x4  }
0x8a: {  	v46 =	vshrl.u32 v3, $0x3  }
0x8b: {  	v4 =	vmul.u32 $0x30, v46  }
0x8c: {  	v3 =	vand.u32 $0x7, v3  }
0x8d: {  	v3 =	vor.u32 v3, v4  }
0x8e: {  	v4 =	vperm.xlane v3, v0;
	_ =	sdelay $0x1  }
0x8f: {  	v4 =	vadd.s32 v1, v4;
	_ =	sdelay $0x3  }
0x90: {  	s15 =	simm.s32 $0x200;
	v3 =	vperm.xlane v3, v2  }
0x91: {  	[hbm4b:s4+s2] =	stream.indirect_vreg.scatter [tilespmem:s15], [sflag:$0x1], $0x80, v4, vm0, $0xb8;
	[tilespmem:$0x12200] =	vst v63  }
0x92: {  	s1 =	simm.s32 $0xA00;
	v3 =	vadd.s32 v1, v3  }
0x93: {  	[hbm4b:s7+s2] =	stream.indirect_vreg.scatter [tilespmem:s1], [sflag:$0x1], $0x80, v4, vm0, $0xb8;
	[tilespmem:$0x12200] =	vst v63  }
0x94: {  	s20 =	simm.s32 $0x1200  }
0x95: {  	[hbm4b:s8+s2] =	stream.indirect_vreg.scatter [tilespmem:s20], [sflag:$0x1], $0x80, v4, vm0, $0xb8;
	[tilespmem:$0x12200] =	vst v63  }
0x96: {  	s24 =	simm.s32 $0x1A00  }
0x97: {  	[hbm4b:s4+s2] =	stream.indirect_vreg.scatter [tilespmem:s24], [sflag:$0x1], $0x80, v3, vm0, $0xb8;
	[tilespmem:$0x12200] =	vst v63  }
0x98: {  	s29 =	simm.s32 $0x2200  }
0x99: {  	[hbm4b:s7+s2] =	stream.indirect_vreg.scatter [tilespmem:s29], [sflag:$0x1], $0x80, v3, vm0, $0xb8;
	[tilespmem:$0x12200] =	vst v63  }
0x9a: {  	s15 =	simm.s32 $0x2A00  }
0x9b: {  	[hbm4b:s8+s2] =	stream.indirect_vreg.scatter [tilespmem:s15], [sflag:$0x1], $0x80, v3, vm0, $0xb8;
	[tilespmem:$0x12200] =	vst v63  }
0x9c: {  	v3 =	vld [tilespmem:$0x110];
	_ =	sdelay $0x4  }
0x9d: {  	v47 =	vshrl.u32 v3, $0x3  }
0x9e: {  	v4 =	vmul.u32 $0x30, v47  }
0x9f: {  	v3 =	vand.u32 $0x7, v3  }
0xa0: {  	v3 =	vor.u32 v3, v4  }
0xa1: {  	v4 =	vperm.xlane v3, v0;
	_ =	sdelay $0x1  }
0xa2: {  	v4 =	vadd.s32 v1, v4;
	_ =	sdelay $0x3  }
0xa3: {  	s20 =	simm.s32 $0x3200;
	v3 =	vperm.xlane v3, v2  }
0xa4: {  	[hbm4b:s4+s2] =	stream.indirect_vreg.scatter [tilespmem:s20], [sflag:$0x1], $0x80, v4, vm0, $0xb8;
	[tilespmem:$0x12200] =	vst v63  }
0xa5: {  	s13 =	simm.s32 $0x3A00;
	v3 =	vadd.s32 v1, v3  }
0xa6: {  	[hbm4b:s7+s2] =	stream.indirect_vreg.scatter [tilespmem:s13], [sflag:$0x1], $0x80, v4, vm0, $0xb8;
	[tilespmem:$0x12200] =	vst v63  }
0xa7: {  	s0 =	simm.s32 $0x4200  }
0xa8: {  	[hbm4b:s8+s2] =	stream.indirect_vreg.scatter [tilespmem:s0], [sflag:$0x1], $0x80, v4, vm0, $0xb8;
	[tilespmem:$0x12200] =	vst v63  }
0xa9: {  	s14 =	simm.s32 $0x4A00  }
0xaa: {  	[hbm4b:s4+s2] =	stream.indirect_vreg.scatter [tilespmem:s14], [sflag:$0x1], $0x80, v3, vm0, $0xb8;
	[tilespmem:$0x12200] =	vst v63  }
0xab: {  	s16 =	simm.s32 $0x5200  }
0xac: {  	[hbm4b:s7+s2] =	stream.indirect_vreg.scatter [tilespmem:s16], [sflag:$0x1], $0x80, v3, vm0, $0xb8;
	[tilespmem:$0x12200] =	vst v63  }
0xad: {  	s1 =	simm.s32 $0x5A00  }
0xae: {  	[hbm4b:s8+s2] =	stream.indirect_vreg.scatter [tilespmem:s1], [sflag:$0x1], $0x80, v3, vm0, $0xb8;
	[tilespmem:$0x12200] =	vst v63  }
0xaf: {  	v3 =	vld [tilespmem:$0x120];
	_ =	sdelay $0x4  }
0xb0: {  	v48 =	vshrl.u32 v3, $0x3  }
0xb1: {  	v4 =	vmul.u32 $0x30, v48  }
0xb2: {  	v3 =	vand.u32 $0x7, v3  }
0xb3: {  	v3 =	vor.u32 v3, v4  }
0xb4: {  	v4 =	vperm.xlane v3, v0;
	_ =	sdelay $0x1  }
0xb5: {  	v4 =	vadd.s32 v1, v4;
	_ =	sdelay $0x3  }
0xb6: {  	s21 =	simm.s32 $0x6200;
	v3 =	vperm.xlane v3, v2  }
0xb7: {  	[hbm4b:s4+s2] =	stream.indirect_vreg.scatter [tilespmem:s21], [sflag:$0x1], $0x80, v4, vm0, $0xb8;
	[tilespmem:$0x12200] =	vst v63  }
0xb8: {  	s17 =	simm.s32 $0x6A00;
	v3 =	vadd.s32 v1, v3  }
0xb9: {  	[hbm4b:s7+s2] =	stream.indirect_vreg.scatter [tilespmem:s17], [sflag:$0x1], $0x80, v4, vm0, $0xb8;
	[tilespmem:$0x12200] =	vst v63  }
0xba: {  	s18 =	simm.s32 $0x7200  }
0xbb: {  	[hbm4b:s8+s2] =	stream.indirect_vreg.scatter [tilespmem:s18], [sflag:$0x1], $0x80, v4, vm0, $0xb8;
	[tilespmem:$0x12200] =	vst v63  }
0xbc: {  	s19 =	simm.s32 $0x7A00  }
0xbd: {  	[hbm4b:s4+s2] =	stream.indirect_vreg.scatter [tilespmem:s19], [sflag:$0x1], $0x80, v3, vm0, $0xb8;
	[tilespmem:$0x12200] =	vst v63  }
0xbe: {  	s22 =	simm.s32 $0x8200  }
0xbf: {  	[hbm4b:s7+s2] =	stream.indirect_vreg.scatter [tilespmem:s22], [sflag:$0x1], $0x80, v3, vm0, $0xb8;
	[tilespmem:$0x12200] =	vst v63  }
0xc0: {  	s23 =	simm.s32 $0x8A00  }
0xc1: {  	[hbm4b:s8+s2] =	stream.indirect_vreg.scatter [tilespmem:s23], [sflag:$0x1], $0x80, v3, vm0, $0xb8;
	[tilespmem:$0x12200] =	vst v63  }
0xc2: {  	v3 =	vld [tilespmem:$0x130];
	_ =	sdelay $0x4  }
0xc3: {  	v49 =	vshrl.u32 v3, $0x3  }
0xc4: {  	v4 =	vmul.u32 $0x30, v49  }
0xc5: {  	v3 =	vand.u32 $0x7, v3  }
0xc6: {  	v3 =	vor.u32 v3, v4  }
0xc7: {  	v4 =	vperm.xlane v3, v0;
	_ =	sdelay $0x1  }
0xc8: {  	v4 =	vadd.s32 v1, v4;
	_ =	sdelay $0x3  }
0xc9: {  	s24 =	simm.s32 $0x9200;
	v3 =	vperm.xlane v3, v2  }
0xca: {  	[hbm4b:s4+s2] =	stream.indirect_vreg.scatter [tilespmem:s24], [sflag:$0x1], $0x80, v4, vm0, $0xb8;
	[tilespmem:$0x12200] =	vst v63  }
0xcb: {  	s21 =	simm.s32 $0x9A00;
	v3 =	vadd.s32 v1, v3  }
0xcc: {  	[hbm4b:s7+s2] =	stream.indirect_vreg.scatter [tilespmem:s21], [sflag:$0x1], $0x80, v4, vm0, $0xb8;
	[tilespmem:$0x12200] =	vst v63  }
0xcd: {  	s23 =	simm.s32 $0xA200  }
0xce: {  	[hbm4b:s8+s2] =	stream.indirect_vreg.scatter [tilespmem:s23], [sflag:$0x1], $0x80, v4, vm0, $0xb8;
	[tilespmem:$0x12200] =	vst v63  }
0xcf: {  	s13 =	simm.s32 $0xAA00  }
0xd0: {  	[hbm4b:s4+s2] =	stream.indirect_vreg.scatter [tilespmem:s13], [sflag:$0x1], $0x80, v3, vm0, $0xb8;
	[tilespmem:$0x12200] =	vst v63  }
0xd1: {  	s14 =	simm.s32 $0xB200  }
0xd2: {  	[hbm4b:s7+s2] =	stream.indirect_vreg.scatter [tilespmem:s14], [sflag:$0x1], $0x80, v3, vm0, $0xb8;
	[tilespmem:$0x12200] =	vst v63  }
0xd3: {  	s17 =	simm.s32 $0xBA00  }
0xd4: {  	[hbm4b:s8+s2] =	stream.indirect_vreg.scatter [tilespmem:s17], [sflag:$0x1], $0x80, v3, vm0, $0xb8;
	[tilespmem:$0x12200] =	vst v63  }
0xd5: {  	v3 =	vld [tilespmem:$0x140];
	_ =	sdelay $0x4  }
0xd6: {  	v50 =	vshrl.u32 v3, $0x3  }
0xd7: {  	v4 =	vmul.u32 $0x30, v50  }
0xd8: {  	v3 =	vand.u32 $0x7, v3  }
0xd9: {  	v3 =	vor.u32 v3, v4  }
0xda: {  	v4 =	vperm.xlane v3, v0;
	_ =	sdelay $0x1  }
0xdb: {  	v4 =	vadd.s32 v1, v4;
	_ =	sdelay $0x3  }
0xdc: {  	s16 =	simm.s32 $0xC200;
	v3 =	vperm.xlane v3, v2  }
0xdd: {  	[hbm4b:s4+s2] =	stream.indirect_vreg.scatter [tilespmem:s16], [sflag:$0x1], $0x80, v4, vm0, $0xb8;
	[tilespmem:$0x12200] =	vst v63  }
0xde: {  	s22 =	simm.s32 $0xCA00;
	v3 =	vadd.s32 v1, v3  }
0xdf: {  	[hbm4b:s7+s2] =	stream.indirect_vreg.scatter [tilespmem:s22], [sflag:$0x1], $0x80, v4, vm0, $0xb8;
	[tilespmem:$0x12200] =	vst v63  }
0xe0: {  	s22 =	simm.s32 $0xD200  }
0xe1: {  	[hbm4b:s8+s2] =	stream.indirect_vreg.scatter [tilespmem:s22], [sflag:$0x1], $0x80, v4, vm0, $0xb8;
	[tilespmem:$0x12200] =	vst v63  }
0xe2: {  	s10 =	simm.s32 $0xDA00  }
0xe3: {  	[hbm4b:s4+s2] =	stream.indirect_vreg.scatter [tilespmem:s10], [sflag:$0x1], $0x80, v3, vm0, $0xb8;
	[tilespmem:$0x12200] =	vst v63  }
0xe4: {  	s10 =	simm.s32 $0xE200  }
0xe5: {  	[hbm4b:s7+s2] =	stream.indirect_vreg.scatter [tilespmem:s10], [sflag:$0x1], $0x80, v3, vm0, $0xb8;
	[tilespmem:$0x12200] =	vst v63  }
0xe6: {  	s19 =	simm.s32 $0xEA00  }
0xe7: {  	[hbm4b:s8+s2] =	stream.indirect_vreg.scatter [tilespmem:s19], [sflag:$0x1], $0x80, v3, vm0, $0xb8;
	[tilespmem:$0x12200] =	vst v63  }
0xe8: {  	v3 =	vld [tilespmem:$0x150];
	_ =	sdelay $0x4  }
0xe9: {  	v51 =	vshrl.u32 v3, $0x3  }
0xea: {  	v4 =	vmul.u32 $0x30, v51  }
0xeb: {  	v3 =	vand.u32 $0x7, v3  }
0xec: {  	v3 =	vor.u32 v3, v4  }
0xed: {  	v4 =	vperm.xlane v3, v0;
	_ =	sdelay $0x1  }
0xee: {  	v4 =	vadd.s32 v1, v4;
	_ =	sdelay $0x3  }
0xef: {  	s18 =	simm.s32 $0xF200;
	v3 =	vperm.xlane v3, v2  }
0xf0: {  	[hbm4b:s4+s2] =	stream.indirect_vreg.scatter [tilespmem:s18], [sflag:$0x1], $0x80, v4, vm0, $0xb8;
	[tilespmem:$0x12200] =	vst v63  }
0xf1: {  	s11 =	simm.s32 $0xFA00;
	v3 =	vadd.s32 v1, v3  }
0xf2: {  	[hbm4b:s7+s2] =	stream.indirect_vreg.scatter [tilespmem:s11], [sflag:$0x1], $0x80, v4, vm0, $0xb8;
	[tilespmem:$0x12200] =	vst v63  }
0xf3: {  	s11 =	simm.s32 $0x10200  }
0xf4: {  	[hbm4b:s8+s2] =	stream.indirect_vreg.scatter [tilespmem:s11], [sflag:$0x1], $0x80, v4, vm0, $0xb8;
	[tilespmem:$0x12200] =	vst v63  }
0xf5: {  	s12 =	simm.s32 $0x10A00  }
0xf6: {  	[hbm4b:s4+s2] =	stream.indirect_vreg.scatter [tilespmem:s12], [sflag:$0x1], $0x80, v3, vm0, $0xb8;
	[tilespmem:$0x12200] =	vst v63  }
0xf7: {  	s12 =	simm.s32 $0x11200  }
0xf8: {  	[hbm4b:s7+s2] =	stream.indirect_vreg.scatter [tilespmem:s12], [sflag:$0x1], $0x80, v3, vm0, $0xb8;
	[tilespmem:$0x12200] =	vst v63  }
0xf9: {  	s28 =	simm.s32 $0x11A00  }
0xfa: {  	[hbm4b:s8+s2] =	stream.indirect_vreg.scatter [tilespmem:s28], [sflag:$0x1], $0x80, v3, vm0, $0xb8;
	[tilespmem:$0x12200] =	vst v63  }
0xfb: {  	_ =	swait.ge [sflag:s25], $0x12000  }
0xfc: {  	[sflag:s25] =	ssyncset.done $0x0  }
0xfd: {  	[sflag:s25] =	ssyncadd.s32 $0xFFFEE000  }
0xfe: {  	v3 =	vld [tilespmem:$0x80];
	_ =	sdelay $0x4  }
0xff: {  	v52 =	vshrl.u32 v3, $0x3  }
0x100: {  	v4 =	vmul.u32 $0x30, v52  }
0x101: {  	v3 =	vand.u32 $0x7, v3  }
0x102: {  	v3 =	vor.u32 v3, v4  }
0x103: {  	v4 =	vperm.xlane v3, v0;
	_ =	sdelay $0x1  }
0x104: {  	v4 =	vadd.s32 v1, v4;
	_ =	sdelay $0x3  }
0x105: {  	s26 =	simm.s32 $0x200;
	v3 =	vperm.xlane v3, v2  }
0x106: {  	[tilespmem:s26], [sflag:$0x1] =	stream.indirect_vreg.gather [hbm4b:s3+s2], $0x80, v4, vm0, $0xb8;
	[tilespmem:$0x12200] =	vst v63  }
0x107: {  	s31 =	simm.s32 $0xA00;
	v3 =	vadd.s32 v1, v3  }
0x108: {  	[tilespmem:s31], [sflag:$0x1] =	stream.indirect_vreg.gather [hbm4b:s5+s2], $0x80, v4, vm0, $0xb8;
	[tilespmem:$0x12200] =	vst v63  }
0x109: {  	s31 =	simm.s32 $0x1200  }
0x10a: {  	[tilespmem:s31], [sflag:$0x1] =	stream.indirect_vreg.gather [hbm4b:s6+s2], $0x80, v4, vm0, $0xb8;
	[tilespmem:$0x12200] =	vst v63  }
0x10b: {  	s28 =	simm.s32 $0x1A00  }
0x10c: {  	[tilespmem:s28], [sflag:$0x1] =	stream.indirect_vreg.gather [hbm4b:s3+s2], $0x80, v3, vm0, $0xb8;
	[tilespmem:$0x12200] =	vst v63  }
0x10d: {  	s31 =	simm.s32 $0x2200  }
0x10e: {  	[tilespmem:s31], [sflag:$0x1] =	stream.indirect_vreg.gather [hbm4b:s5+s2], $0x80, v3, vm0, $0xb8;
	[tilespmem:$0x12200] =	vst v63  }
0x10f: {  	_ = 	snop  }
0x110: {  	[tilespmem:s15], [sflag:$0x1] =	stream.indirect_vreg.gather [hbm4b:s6+s2], $0x80, v3, vm0, $0xb8;
	[tilespmem:$0x12200] =	vst v63  }
0x111: {  	v3 =	vld [tilespmem:$0x90];
	_ =	sdelay $0x4  }
0x112: {  	v53 =	vshrl.u32 v3, $0x3  }
0x113: {  	v4 =	vmul.u32 $0x30, v53  }
0x114: {  	v3 =	vand.u32 $0x7, v3  }
0x115: {  	v3 =	vor.u32 v3, v4  }
0x116: {  	v4 =	vperm.xlane v3, v0;
	_ =	sdelay $0x1  }
0x117: {  	v4 =	vadd.s32 v1, v4;
	_ =	sdelay $0x3  }
0x118: {  	v3 =	vperm.xlane v3, v2  }
0x119: {  	[tilespmem:s20], [sflag:$0x1] =	stream.indirect_vreg.gather [hbm4b:s3+s2], $0x80, v4, vm0, $0xb8;
	[tilespmem:$0x12200] =	vst v63  }
0x11a: {  	s29 =	simm.s32 $0x3A00;
	v3 =	vadd.s32 v1, v3  }
0x11b: {  	[tilespmem:s29], [sflag:$0x1] =	stream.indirect_vreg.gather [hbm4b:s5+s2], $0x80, v4, vm0, $0xb8;
	[tilespmem:$0x12200] =	vst v63  }
0x11c: {  	_ = 	snop  }
0x11d: {  	[tilespmem:s0], [sflag:$0x1] =	stream.indirect_vreg.gather [hbm4b:s6+s2], $0x80, v4, vm0, $0xb8;
	[tilespmem:$0x12200] =	vst v63  }
0x11e: {  	s30 =	simm.s32 $0x4A00  }
0x11f: {  	[tilespmem:s30], [sflag:$0x1] =	stream.indirect_vreg.gather [hbm4b:s3+s2], $0x80, v3, vm0, $0xb8;
	[tilespmem:$0x12200] =	vst v63  }
0x120: {  	s26 =	simm.s32 $0x5200  }
0x121: {  	[tilespmem:s26], [sflag:$0x1] =	stream.indirect_vreg.gather [hbm4b:s5+s2], $0x80, v3, vm0, $0xb8;
	[tilespmem:$0x12200] =	vst v63  }
0x122: {  	_ = 	snop  }
0x123: {  	[tilespmem:s1], [sflag:$0x1] =	stream.indirect_vreg.gather [hbm4b:s6+s2], $0x80, v3, vm0, $0xb8;
	[tilespmem:$0x12200] =	vst v63  }
0x124: {  	v3 =	vld [tilespmem:$0xA0];
	_ =	sdelay $0x4  }
0x125: {  	v54 =	vshrl.u32 v3, $0x3  }
0x126: {  	v4 =	vmul.u32 $0x30, v54  }
0x127: {  	v3 =	vand.u32 $0x7, v3  }
0x128: {  	v3 =	vor.u32 v3, v4  }
0x129: {  	v4 =	vperm.xlane v3, v0;
	_ =	sdelay $0x1  }
0x12a: {  	v4 =	vadd.s32 v1, v4;
	_ =	sdelay $0x3  }
0x12b: {  	s29 =	simm.s32 $0x6200;
	v3 =	vperm.xlane v3, v2  }
0x12c: {  	[tilespmem:s29], [sflag:$0x1] =	stream.indirect_vreg.gather [hbm4b:s3+s2], $0x80, v4, vm0, $0xb8;
	[tilespmem:$0x12200] =	vst v63  }
0x12d: {  	s30 =	simm.s32 $0x6A00;
	v3 =	vadd.s32 v1, v3  }
0x12e: {  	[tilespmem:s30], [sflag:$0x1] =	stream.indirect_vreg.gather [hbm4b:s5+s2], $0x80, v4, vm0, $0xb8;
	[tilespmem:$0x12200] =	vst v63  }
0x12f: {  	s1 =	simm.s32 $0x7200  }
0x130: {  	[tilespmem:s1], [sflag:$0x1] =	stream.indirect_vreg.gather [hbm4b:s6+s2], $0x80, v4, vm0, $0xb8;
	[tilespmem:$0x12200] =	vst v63  }
0x131: {  	s29 =	simm.s32 $0x7A00  }
0x132: {  	[tilespmem:s29], [sflag:$0x1] =	stream.indirect_vreg.gather [hbm4b:s3+s2], $0x80, v3, vm0, $0xb8;
	[tilespmem:$0x12200] =	vst v63  }
0x133: {  	s30 =	simm.s32 $0x8200  }
0x134: {  	[tilespmem:s30], [sflag:$0x1] =	stream.indirect_vreg.gather [hbm4b:s5+s2], $0x80, v3, vm0, $0xb8;
	[tilespmem:$0x12200] =	vst v63  }
0x135: {  	s1 =	simm.s32 $0x8A00  }
0x136: {  	[tilespmem:s1], [sflag:$0x1] =	stream.indirect_vreg.gather [hbm4b:s6+s2], $0x80, v3, vm0, $0xb8;
	[tilespmem:$0x12200] =	vst v63  }
0x137: {  	v3 =	vld [tilespmem:$0xB0];
	_ =	sdelay $0x4  }
0x138: {  	v55 =	vshrl.u32 v3, $0x3  }
0x139: {  	v4 =	vmul.u32 $0x30, v55  }
0x13a: {  	v3 =	vand.u32 $0x7, v3  }
0x13b: {  	v3 =	vor.u32 v3, v4  }
0x13c: {  	v4 =	vperm.xlane v3, v0;
	_ =	sdelay $0x1  }
0x13d: {  	v4 =	vadd.s32 v1, v4;
	_ =	sdelay $0x3  }
0x13e: {  	v3 =	vperm.xlane v3, v2  }
0x13f: {  	[tilespmem:s24], [sflag:$0x1] =	stream.indirect_vreg.gather [hbm4b:s3+s2], $0x80, v4, vm0, $0xb8;
	[tilespmem:$0x12200] =	vst v63  }
0x140: {  	v3 =	vadd.s32 v1, v3  }
0x141: {  	[tilespmem:s21], [sflag:$0x1] =	stream.indirect_vreg.gather [hbm4b:s5+s2], $0x80, v4, vm0, $0xb8;
	[tilespmem:$0x12200] =	vst v63  }
0x142: {  	_ = 	snop  }
0x143: {  	[tilespmem:s23], [sflag:$0x1] =	stream.indirect_vreg.gather [hbm4b:s6+s2], $0x80, v4, vm0, $0xb8;
	[tilespmem:$0x12200] =	vst v63  }
0x144: {  	_ = 	snop  }
0x145: {  	[tilespmem:s13], [sflag:$0x1] =	stream.indirect_vreg.gather [hbm4b:s3+s2], $0x80, v3, vm0, $0xb8;
	[tilespmem:$0x12200] =	vst v63  }
0x146: {  	_ = 	snop  }
0x147: {  	[tilespmem:s14], [sflag:$0x1] =	stream.indirect_vreg.gather [hbm4b:s5+s2], $0x80, v3, vm0, $0xb8;
	[tilespmem:$0x12200] =	vst v63  }
0x148: {  	_ = 	snop  }
0x149: {  	[tilespmem:s17], [sflag:$0x1] =	stream.indirect_vreg.gather [hbm4b:s6+s2], $0x80, v3, vm0, $0xb8;
	[tilespmem:$0x12200] =	vst v63  }
0x14a: {  	v3 =	vld [tilespmem:$0xC0];
	_ =	sdelay $0x4  }
0x14b: {  	v56 =	vshrl.u32 v3, $0x3  }
0x14c: {  	v4 =	vmul.u32 $0x30, v56  }
0x14d: {  	v3 =	vand.u32 $0x7, v3  }
0x14e: {  	v3 =	vor.u32 v3, v4  }
0x14f: {  	v4 =	vperm.xlane v3, v0;
	_ =	sdelay $0x1  }
0x150: {  	v4 =	vadd.s32 v1, v4;
	_ =	sdelay $0x3  }
0x151: {  	v3 =	vperm.xlane v3, v2  }
0x152: {  	[tilespmem:s16], [sflag:$0x1] =	stream.indirect_vreg.gather [hbm4b:s3+s2], $0x80, v4, vm0, $0xb8;
	[tilespmem:$0x12200] =	vst v63  }
0x153: {  	v3 =	vadd.s32 v1, v3;
	s16 =	simm.s32 $0xCA00  }
0x154: {  	[tilespmem:s16], [sflag:$0x1] =	stream.indirect_vreg.gather [hbm4b:s5+s2], $0x80, v4, vm0, $0xb8;
	[tilespmem:$0x12200] =	vst v63  }
0x155: {  	_ = 	snop  }
0x156: {  	[tilespmem:s22], [sflag:$0x1] =	stream.indirect_vreg.gather [hbm4b:s6+s2], $0x80, v4, vm0, $0xb8;
	[tilespmem:$0x12200] =	vst v63  }
0x157: {  	s22 =	simm.s32 $0xDA00  }
0x158: {  	[tilespmem:s22], [sflag:$0x1] =	stream.indirect_vreg.gather [hbm4b:s3+s2], $0x80, v3, vm0, $0xb8;
	[tilespmem:$0x12200] =	vst v63  }
0x159: {  	_ = 	snop  }
0x15a: {  	[tilespmem:s10], [sflag:$0x1] =	stream.indirect_vreg.gather [hbm4b:s5+s2], $0x80, v3, vm0, $0xb8;
	[tilespmem:$0x12200] =	vst v63  }
0x15b: {  	_ = 	snop  }
0x15c: {  	[tilespmem:s19], [sflag:$0x1] =	stream.indirect_vreg.gather [hbm4b:s6+s2], $0x80, v3, vm0, $0xb8;
	[tilespmem:$0x12200] =	vst v63  }
0x15d: {  	v3 =	vld [tilespmem:$0xD0];
	_ =	sdelay $0x4  }
0x15e: {  	v57 =	vshrl.u32 v3, $0x3  }
0x15f: {  	v4 =	vmul.u32 $0x30, v57  }
0x160: {  	v3 =	vand.u32 $0x7, v3  }
0x161: {  	v3 =	vor.u32 v3, v4  }
0x162: {  	v4 =	vperm.xlane v3, v0;
	_ =	sdelay $0x1  }
0x163: {  	v4 =	vadd.s32 v1, v4;
	_ =	sdelay $0x3  }
0x164: {  	v3 =	vperm.xlane v3, v2  }
0x165: {  	[tilespmem:s18], [sflag:$0x1] =	stream.indirect_vreg.gather [hbm4b:s3+s2], $0x80, v4, vm0, $0xb8;
	[tilespmem:$0x12200] =	vst v63  }
0x166: {  	s30 =	simm.s32 $0xFA00;
	v3 =	vadd.s32 v1, v3  }
0x167: {  	[tilespmem:s30], [sflag:$0x1] =	stream.indirect_vreg.gather [hbm4b:s5+s2], $0x80, v4, vm0, $0xb8;
	[tilespmem:$0x12200] =	vst v63  }
0x168: {  	_ = 	snop  }
0x169: {  	[tilespmem:s11], [sflag:$0x1] =	stream.indirect_vreg.gather [hbm4b:s6+s2], $0x80, v4, vm0, $0xb8;
	[tilespmem:$0x12200] =	vst v63  }
0x16a: {  	s0 =	simm.s32 $0x10A00  }
0x16b: {  	[tilespmem:s0], [sflag:$0x1] =	stream.indirect_vreg.gather [hbm4b:s3+s2], $0x80, v3, vm0, $0xb8;
	[tilespmem:$0x12200] =	vst v63  }
0x16c: {  	_ = 	snop  }
0x16d: {  	[tilespmem:s12], [sflag:$0x1] =	stream.indirect_vreg.gather [hbm4b:s5+s2], $0x80, v3, vm0, $0xb8;
	[tilespmem:$0x12200] =	vst v63  }
0x16e: {  	s0 =	simm.s32 $0x11A00  }
0x16f: {  	[tilespmem:s0], [sflag:$0x1] =	stream.indirect_vreg.gather [hbm4b:s6+s2], $0x80, v3, vm0, $0xb8;
	[tilespmem:$0x12200] =	vst v63  }
0x170: {  	_ =	swait.ge [sflag:s25], $0x12000  }
0x171: {  	[sflag:s25] =	ssyncset.done $0x0  }
0x172: {  	[sflag:s25] =	ssyncadd.s32 $0xFFFEE000  }
0x173: {  	v3 =	vld [tilespmem:$0x180];
	_ =	sdelay $0x4  }
0x174: {  	v58 =	vshrl.u32 v3, $0x3  }
0x175: {  	v4 =	vmul.u32 $0x30, v58  }
0x176: {  	v3 =	vand.u32 $0x7, v3  }
0x177: {  	v3 =	vor.u32 v3, v4  }
0x178: {  	v4 =	vperm.xlane v3, v0;
	_ =	sdelay $0x1  }
0x179: {  	v4 =	vadd.s32 v1, v4;
	_ =	sdelay $0x3  }
0x17a: {  	s0 =	simm.s32 $0x200;
	v3 =	vperm.xlane v3, v2  }
0x17b: {  	[hbm4b:s4+s2] =	stream.indirect_vreg.scatter [tilespmem:s0], [sflag:$0x1], $0x80, v4, vm0, $0xb8;
	[tilespmem:$0x12200] =	vst v63  }
0x17c: {  	v3 =	vadd.s32 v1, v3;
	s0 =	simm.s32 $0xA00  }
0x17d: {  	[hbm4b:s7+s2] =	stream.indirect_vreg.scatter [tilespmem:s0], [sflag:$0x1], $0x80, v4, vm0, $0xb8;
	[tilespmem:$0x12200] =	vst v63  }
0x17e: {  	s0 =	simm.s32 $0x1200  }
0x17f: {  	[hbm4b:s8+s2] =	stream.indirect_vreg.scatter [tilespmem:s0], [sflag:$0x1], $0x80, v4, vm0, $0xb8;
	[tilespmem:$0x12200] =	vst v63  }
0x180: {  	s0 =	simm.s32 $0x1A00  }
0x181: {  	[hbm4b:s4+s2] =	stream.indirect_vreg.scatter [tilespmem:s0], [sflag:$0x1], $0x80, v3, vm0, $0xb8;
	[tilespmem:$0x12200] =	vst v63  }
0x182: {  	s31 =	simm.s32 $0x2200  }
0x183: {  	[hbm4b:s7+s2] =	stream.indirect_vreg.scatter [tilespmem:s31], [sflag:$0x1], $0x80, v3, vm0, $0xb8;
	[tilespmem:$0x12200] =	vst v63  }
0x184: {  	s28 =	simm.s32 $0x2A00  }
0x185: {  	[hbm4b:s8+s2] =	stream.indirect_vreg.scatter [tilespmem:s28], [sflag:$0x1], $0x80, v3, vm0, $0xb8;
	[tilespmem:$0x12200] =	vst v63  }
0x186: {  	v3 =	vld [tilespmem:$0x190];
	_ =	sdelay $0x4  }
0x187: {  	v59 =	vshrl.u32 v3, $0x3  }
0x188: {  	v4 =	vmul.u32 $0x30, v59  }
0x189: {  	v3 =	vand.u32 $0x7, v3  }
0x18a: {  	v3 =	vor.u32 v3, v4  }
0x18b: {  	v4 =	vperm.xlane v3, v0;
	_ =	sdelay $0x1  }
0x18c: {  	v4 =	vadd.s32 v1, v4;
	_ =	sdelay $0x3  }
0x18d: {  	s20 =	simm.s32 $0x3200;
	v3 =	vperm.xlane v3, v2  }
0x18e: {  	[hbm4b:s4+s2] =	stream.indirect_vreg.scatter [tilespmem:s20], [sflag:$0x1], $0x80, v4, vm0, $0xb8;
	[tilespmem:$0x12200] =	vst v63  }
0x18f: {  	s31 =	simm.s32 $0x3A00;
	v3 =	vadd.s32 v1, v3  }
0x190: {  	[hbm4b:s7+s2] =	stream.indirect_vreg.scatter [tilespmem:s31], [sflag:$0x1], $0x80, v4, vm0, $0xb8;
	[tilespmem:$0x12200] =	vst v63  }
0x191: {  	s15 =	simm.s32 $0x4200  }
0x192: {  	[hbm4b:s8+s2] =	stream.indirect_vreg.scatter [tilespmem:s15], [sflag:$0x1], $0x80, v4, vm0, $0xb8;
	[tilespmem:$0x12200] =	vst v63  }
0x193: {  	s15 =	simm.s32 $0x4A00  }
0x194: {  	[hbm4b:s4+s2] =	stream.indirect_vreg.scatter [tilespmem:s15], [sflag:$0x1], $0x80, v3, vm0, $0xb8;
	[tilespmem:$0x12200] =	vst v63  }
0x195: {  	s20 =	simm.s32 $0x5200  }
0x196: {  	[hbm4b:s7+s2] =	stream.indirect_vreg.scatter [tilespmem:s20], [sflag:$0x1], $0x80, v3, vm0, $0xb8;
	[tilespmem:$0x12200] =	vst v63  }
0x197: {  	s26 =	simm.s32 $0x5A00  }
0x198: {  	[hbm4b:s8+s2] =	stream.indirect_vreg.scatter [tilespmem:s26], [sflag:$0x1], $0x80, v3, vm0, $0xb8;
	[tilespmem:$0x12200] =	vst v63  }
0x199: {  	v3 =	vld [tilespmem:$0x1A0];
	_ =	sdelay $0x4  }
0x19a: {  	v60 =	vshrl.u32 v3, $0x3  }
0x19b: {  	v4 =	vmul.u32 $0x30, v60  }
0x19c: {  	v3 =	vand.u32 $0x7, v3  }
0x19d: {  	v3 =	vor.u32 v3, v4  }
0x19e: {  	v4 =	vperm.xlane v3, v0;
	_ =	sdelay $0x1  }
0x19f: {  	v4 =	vadd.s32 v1, v4;
	_ =	sdelay $0x3  }
0x1a0: {  	s26 =	simm.s32 $0x6200;
	v3 =	vperm.xlane v3, v2  }
0x1a1: {  	[hbm4b:s4+s2] =	stream.indirect_vreg.scatter [tilespmem:s26], [sflag:$0x1], $0x80, v4, vm0, $0xb8;
	[tilespmem:$0x12200] =	vst v63  }
0x1a2: {  	s28 =	simm.s32 $0x6A00;
	v3 =	vadd.s32 v1, v3  }
0x1a3: {  	[hbm4b:s7+s2] =	stream.indirect_vreg.scatter [tilespmem:s28], [sflag:$0x1], $0x80, v4, vm0, $0xb8;
	[tilespmem:$0x12200] =	vst v63  }
0x1a4: {  	s31 =	simm.s32 $0x7200  }
0x1a5: {  	[hbm4b:s8+s2] =	stream.indirect_vreg.scatter [tilespmem:s31], [sflag:$0x1], $0x80, v4, vm0, $0xb8;
	[tilespmem:$0x12200] =	vst v63  }
0x1a6: {  	s15 =	simm.s32 $0x7A00  }
0x1a7: {  	[hbm4b:s4+s2] =	stream.indirect_vreg.scatter [tilespmem:s15], [sflag:$0x1], $0x80, v3, vm0, $0xb8;
	[tilespmem:$0x12200] =	vst v63  }
0x1a8: {  	s20 =	simm.s32 $0x8200  }
0x1a9: {  	[hbm4b:s7+s2] =	stream.indirect_vreg.scatter [tilespmem:s20], [sflag:$0x1], $0x80, v3, vm0, $0xb8;
	[tilespmem:$0x12200] =	vst v63  }
0x1aa: {  	s26 =	simm.s32 $0x8A00  }
0x1ab: {  	[hbm4b:s8+s2] =	stream.indirect_vreg.scatter [tilespmem:s26], [sflag:$0x1], $0x80, v3, vm0, $0xb8;
	[tilespmem:$0x12200] =	vst v63  }
0x1ac: {  	v3 =	vld [tilespmem:$0x1B0];
	_ =	sdelay $0x4  }
0x1ad: {  	v61 =	vshrl.u32 v3, $0x3  }
0x1ae: {  	v4 =	vmul.u32 $0x30, v61  }
0x1af: {  	v3 =	vand.u32 $0x7, v3  }
0x1b0: {  	v3 =	vor.u32 v3, v4  }
0x1b1: {  	v4 =	vperm.xlane v3, v0;
	_ =	sdelay $0x1  }
0x1b2: {  	v4 =	vadd.s32 v1, v4;
	_ =	sdelay $0x3  }
0x1b3: {  	s24 =	simm.s32 $0x9200;
	v3 =	vperm.xlane v3, v2  }
0x1b4: {  	[hbm4b:s4+s2] =	stream.indirect_vreg.scatter [tilespmem:s24], [sflag:$0x1], $0x80, v4, vm0, $0xb8;
	[tilespmem:$0x12200] =	vst v63  }
0x1b5: {  	s21 =	simm.s32 $0x9A00;
	v3 =	vadd.s32 v1, v3  }
0x1b6: {  	[hbm4b:s7+s2] =	stream.indirect_vreg.scatter [tilespmem:s21], [sflag:$0x1], $0x80, v4, vm0, $0xb8;
	[tilespmem:$0x12200] =	vst v63  }
0x1b7: {  	s23 =	simm.s32 $0xA200  }
0x1b8: {  	[hbm4b:s8+s2] =	stream.indirect_vreg.scatter [tilespmem:s23], [sflag:$0x1], $0x80, v4, vm0, $0xb8;
	[tilespmem:$0x12200] =	vst v63  }
0x1b9: {  	s13 =	simm.s32 $0xAA00  }
0x1ba: {  	[hbm4b:s4+s2] =	stream.indirect_vreg.scatter [tilespmem:s13], [sflag:$0x1], $0x80, v3, vm0, $0xb8;
	[tilespmem:$0x12200] =	vst v63  }
0x1bb: {  	s28 =	simm.s32 $0xB200  }
0x1bc: {  	[hbm4b:s7+s2] =	stream.indirect_vreg.scatter [tilespmem:s28], [sflag:$0x1], $0x80, v3, vm0, $0xb8;
	[tilespmem:$0x12200] =	vst v63  }
0x1bd: {  	s17 =	simm.s32 $0xBA00  }
0x1be: {  	[hbm4b:s8+s2] =	stream.indirect_vreg.scatter [tilespmem:s17], [sflag:$0x1], $0x80, v3, vm0, $0xb8;
	[tilespmem:$0x12200] =	vst v63  }
0x1bf: {  	v3 =	vld [tilespmem:$0x1C0];
	_ =	sdelay $0x4  }
0x1c0: {  	v62 =	vshrl.u32 v3, $0x3  }
0x1c1: {  	v4 =	vmul.u32 $0x30, v62  }
0x1c2: {  	v3 =	vand.u32 $0x7, v3  }
0x1c3: {  	v3 =	vor.u32 v3, v4  }
0x1c4: {  	v4 =	vperm.xlane v3, v0;
	_ =	sdelay $0x1  }
0x1c5: {  	v4 =	vadd.s32 v1, v4;
	_ =	sdelay $0x3  }
0x1c6: {  	s14 =	simm.s32 $0xC200;
	v3 =	vperm.xlane v3, v2  }
0x1c7: {  	[hbm4b:s4+s2] =	stream.indirect_vreg.scatter [tilespmem:s14], [sflag:$0x1], $0x80, v4, vm0, $0xb8;
	[tilespmem:$0x12200] =	vst v63  }
0x1c8: {  	s29 =	simm.s32 $0xCA00;
	v3 =	vadd.s32 v1, v3  }
0x1c9: {  	[hbm4b:s7+s2] =	stream.indirect_vreg.scatter [tilespmem:s29], [sflag:$0x1], $0x80, v4, vm0, $0xb8;
	[tilespmem:$0x12200] =	vst v63  }
0x1ca: {  	s1 =	simm.s32 $0xD200  }
0x1cb: {  	[hbm4b:s8+s2] =	stream.indirect_vreg.scatter [tilespmem:s1], [sflag:$0x1], $0x80, v4, vm0, $0xb8;
	[tilespmem:$0x12200] =	vst v63  }
0x1cc: {  	s22 =	simm.s32 $0xDA00  }
0x1cd: {  	[hbm4b:s4+s2] =	stream.indirect_vreg.scatter [tilespmem:s22], [sflag:$0x1], $0x80, v3, vm0, $0xb8;
	[tilespmem:$0x12200] =	vst v63  }
0x1ce: {  	s10 =	simm.s32 $0xE200  }
0x1cf: {  	[hbm4b:s7+s2] =	stream.indirect_vreg.scatter [tilespmem:s10], [sflag:$0x1], $0x80, v3, vm0, $0xb8;
	[tilespmem:$0x12200] =	vst v63  }
0x1d0: {  	s19 =	simm.s32 $0xEA00  }
0x1d1: {  	[hbm4b:s8+s2] =	stream.indirect_vreg.scatter [tilespmem:s19], [sflag:$0x1], $0x80, v3, vm0, $0xb8;
	[tilespmem:$0x12200] =	vst v63  }
0x1d2: {  	v3 =	vld [tilespmem:$0x1D0];
	_ =	sdelay $0x4  }
0x1d3: {  	v63 =	vshrl.u32 v3, $0x3  }
0x1d4: {  	v4 =	vmul.u32 $0x30, v63  }
0x1d5: {  	v3 =	vand.u32 $0x7, v3  }
0x1d6: {  	v3 =	vor.u32 v3, v4  }
0x1d7: {  	v4 =	vperm.xlane v3, v0;
	_ =	sdelay $0x1  }
0x1d8: {  	v4 =	vadd.s32 v1, v4;
	_ =	sdelay $0x3  }
0x1d9: {  	s16 =	simm.s32 $0xF200;
	v3 =	vperm.xlane v3, v2  }
0x1da: {  	[hbm4b:s4+s2] =	stream.indirect_vreg.scatter [tilespmem:s16], [sflag:$0x1], $0x80, v4, vm0, $0xb8;
	[tilespmem:$0x12200] =	vst v63  }
0x1db: {  	s18 =	simm.s32 $0xFA00;
	v3 =	vadd.s32 v1, v3  }
0x1dc: {  	[hbm4b:s7+s2] =	stream.indirect_vreg.scatter [tilespmem:s18], [sflag:$0x1], $0x80, v4, vm0, $0xb8;
	[tilespmem:$0x12200] =	vst v63  }
0x1dd: {  	s11 =	simm.s32 $0x10200  }
0x1de: {  	[hbm4b:s8+s2] =	stream.indirect_vreg.scatter [tilespmem:s11], [sflag:$0x1], $0x80, v4, vm0, $0xb8;
	[tilespmem:$0x12200] =	vst v63  }
0x1df: {  	s30 =	simm.s32 $0x10A00  }
0x1e0: {  	[hbm4b:s4+s2] =	stream.indirect_vreg.scatter [tilespmem:s30], [sflag:$0x1], $0x80, v3, vm0, $0xb8;
	[tilespmem:$0x12200] =	vst v63  }
0x1e1: {  	p0 =	sne.s32 s9, $0x1;
	s12 =	simm.s32 $0x11200  }
0x1e2: {  	[hbm4b:s7+s2] =	stream.indirect_vreg.scatter [tilespmem:s12], [sflag:$0x1], $0x80, v3, vm0, $0xb8;
	[tilespmem:$0x12200] =	vst v63  }
.Ltmp0:
0x1e3: {  	s31 =	simm.s32 $0x11A00;
	(pc) =	sbr.rel @p0 .LBB2_1-.Ltmp0, $4  }
0x1e4: {  	[hbm4b:s8+s2] =	stream.indirect_vreg.scatter [tilespmem:s31], [sflag:$0x1], $0x80, v3, vm0, $0xb8;
	[tilespmem:$0x12200] =	vst v63  }
0x1e5: {  	_ =	swait.ge [sflag:s25], $0x12000  }
0x1e6: {  	[sflag:s25] =	ssyncset.done $0x0  }
0x1e7: {  	s9 =	sadd.s32 $0xFFFFFFFF, s9;
	[sflag:s25] =	ssyncadd.s32 $0xFFFEE000  }
0x1e8: {  	_ =	sfence.sel $0x180000  }
0x1e9: {  	[bflag:$0x0] =	sbarrier.arrive $0xFFFF  }
0x1ea: {  	_ =	strace $0x90000047  }
0x1eb: {  	s0 =	stileid.u32;
	[bflag:$0x2] =	sbarrier.arrive $0xFFFF  }
0x1ec: {  	p0 =	sne.s32 s0, $0x0;
	s0 =	rddreg [dreg:$0x1]  }
0x1ed: {  	s0 =	sadd.s32 @!p0 $0x100000, s0  }
0x1ee: {  	[sflag:s0] =	ssyncadd.tile.s32 @!p0 $0x1;
	_ =	shalt  }
.Lfunc_end2:
_tile_overlayer_lowered:
.L_overlay_start_2:
0x1ef: {  	(tag) =	ssettag $0x2  }
0x1f0: {  	s0 =	rddreg [dreg:$0x0];
	s2 =	stileid.u32  }
0x1f1: {  	s1 =	rddreg [dreg:$0x1];
	p0 =	sne.s32 s2, $0x0  }
0x1f2: {  	s3 =	rddreg [dreg:$0x2];
	[bflag:$0x3] =	sbarrier.arrive $0xFFFF;
	s2 =	simm.s32 @!p0 $0x1C02  }
0x1f3: {  	[timem:s3], [sflag:s2] =	dma.local @!p0 [hbm:s0], s1  }
0x1f4: {  	s0 =	simm.s32 @!p0 $0x2  }
0x1f5: {  	_ =	swait.ge @!p0 [sflag:s0], s1  }
0x1f6: {  	s1 =	ssub.s32 @!p0 $0x0, s1;
	[sflag:s0] =	ssyncset.done @!p0 $0x0  }
0x1f7: {  	[sflag:s0] =	ssyncadd.s32 @!p0 s1  }
0x1f8: {  	[bflag:$0x3] =	sbarrier.arrive $0xFFFF  }
0x1f9: {  	_ =	shalt  }

</sc_bundles>
